<compile_context>
chip_gen: v7x
topology: tpu7x:2x2x1
jax: 0.10.2.dev20260603
libtpu: 0.0.44.dev20260713+nightly
codegen_flags: <defaults>
</compile_context>

<pallas_src>
import jax
import jax.numpy as jnp
from jax import lax
from jax.experimental import pallas as pl
from jax.experimental.pallas import tpu as pltpu
from jax.experimental.pallas import tpu_sc as plsc

_HIDDEN = 768
_MAX_POS = 4096
_EPS = 1e-12
_B, _S = 4, 4096
_NTOK = _B * _S
_NW = 32
_TPW = _NTOK // _NW
_T = 16
_NCHUNK = _TPW // _T
_NSLOT = 4
_NBLK = _HIDDEN // 16
_L = 16


def _rsqrt(x):
    i = lax.bitcast_convert_type(x, jnp.int32)
    y = lax.bitcast_convert_type(jnp.int32(0x5F375A86) - (i >> 1), jnp.float32)
    for _ in range(3):
        y = y * (1.5 - 0.5 * x * y * y)
    return y


def _sc_body(ids_hbm, tt_hbm, word_hbm, pos_hbm, type_hbm, gamma_hbm, beta_hbm,
             out_hbm, idxa, tta, wbuf, pbuf, tbuf, sbuf, vbuf,
             musc, rsc, gsem, psem, osem):
    wid = lax.axis_index("s") * 2 + lax.axis_index("c")
    base = wid * _TPW
    pos_base = lax.rem(base, _MAX_POS)

    pltpu.sync_copy(ids_hbm.at[pl.ds(base, _TPW)], idxa)
    pltpu.sync_copy(tt_hbm.at[pl.ds(base, _TPW)], tta.at[pl.ds(0, _TPW)])
    pltpu.sync_copy(type_hbm, tbuf)

    def issue_in(c, s):
        pltpu.async_copy(word_hbm.at[idxa.at[pl.ds(c * _T, _T)]],
                         wbuf.at[s], gsem.at[s])
        pltpu.async_copy(pos_hbm.at[pl.ds(pos_base + c * _T, _T)],
                         pbuf.at[s], psem.at[s])

    def wait_in(s):
        pltpu.make_async_copy(word_hbm.at[pl.ds(0, _T)], wbuf.at[s],
                              gsem.at[s]).wait()
        pltpu.make_async_copy(pos_hbm.at[pl.ds(0, _T)], pbuf.at[s],
                              psem.at[s]).wait()

    def issue_out(c, s):
        pltpu.async_copy(wbuf.at[s], out_hbm.at[pl.ds(base + c * _T, _T)],
                         osem.at[s])

    def wait_out(s):
        pltpu.make_async_copy(wbuf.at[s], out_hbm.at[pl.ds(0, _T)],
                              osem.at[s]).wait()

    lanes = lax.iota(jnp.int32, _L)

    def compute_chunk(c, s):
        pass

    issue_in(0, 0)
    issue_in(1, 1)

    def quad(cc, carry):
        for s in range(_NSLOT):
            c = cc * _NSLOT + s
            s2 = (s + 2) % _NSLOT

            @pl.when(c >= 2)
            def _():
                wait_out(s2)

            @pl.when(c + 2 < _NCHUNK)
            def _():
                issue_in(c + 2, s2)

            wait_in(s)
            compute_chunk(c, s)
            issue_out(c, s)
        return carry

    lax.fori_loop(0, _NCHUNK // _NSLOT, quad, 0)
    wait_out(2)
    wait_out(3)


@jax.jit
def _sc_embed(ids_flat, tt_flat, word_emb, pos_emb, type_emb, gamma, beta):
    mesh = plsc.VectorSubcoreMesh(core_axis_name="c", subcore_axis_name="s")
    return pl.kernel(
        _sc_body,
        out_type=jax.ShapeDtypeStruct((_NTOK, _HIDDEN), jnp.float32),
        mesh=mesh,
        compiler_params=pltpu.CompilerParams(needs_layout_passes=False),
        scratch_types=[
            pltpu.VMEM((_TPW,), jnp.int32),
            pltpu.VMEM((_TPW + _L,), jnp.int32),
            pltpu.VMEM((_NSLOT, _T, _HIDDEN), jnp.float32),
            pltpu.VMEM((_NSLOT, _T, _HIDDEN), jnp.float32),
            pltpu.VMEM((2, _HIDDEN), jnp.float32),
            pltpu.VMEM((2 * _T, _L), jnp.float32),
            pltpu.VMEM((_T, _HIDDEN), jnp.float32),
            pltpu.VMEM((_L,), jnp.float32),
            pltpu.VMEM((_L,), jnp.float32),
            pltpu.SemaphoreType.DMA((_NSLOT,)),
            pltpu.SemaphoreType.DMA((_NSLOT,)),
            pltpu.SemaphoreType.DMA((_NSLOT,)),
        ],
    )(ids_flat, tt_flat, word_emb, pos_emb, type_emb, gamma, beta)


def kernel(input_ids, token_type_ids, word_emb, pos_emb, type_emb, gamma, beta):
    ids_flat = input_ids.reshape(_NTOK).astype(jnp.int32)
    tt_flat = token_type_ids.reshape(_NTOK).astype(jnp.int32)
    out = _sc_embed(ids_flat, tt_flat, word_emb, pos_emb, type_emb, gamma, beta)
    return out.reshape(_B, _S, _HIDDEN)

# --- scband reference (transcript-rebuilt; emitter-appended) ---
"""Pipeline reference for scband-bert-embeddings-74612171866349 (READ-ONLY COPY).

The authoritative reference and input builder live on the scoring server;
editing this copy changes nothing except your own understanding.
"""

import jax, jax.numpy as jnp
import numpy as np

VOCAB = 100000
HIDDEN = 768
MAX_POS = 4096
TYPE_VOCAB = 2
EPS = 1e-12
B, S = 4, 4096


def setup_inputs(seed: int = 0) -> dict:
    key = jax.random.key(seed)
    k1, k2, k3, k4, k5 = jax.random.split(key, 5)
    input_ids = jax.random.randint(k1, (B, S), 0, VOCAB, dtype=jnp.int64) if jax.config.jax_enable_x64 else jax.random.randint(k1, (B, S), 0, VOCAB).astype(jnp.int32)
    token_type_ids = jax.random.randint(k2, (B, S), 0, TYPE_VOCAB).astype(input_ids.dtype)
    word_emb = jax.random.normal(k3, (VOCAB, HIDDEN), dtype=jnp.float32) * 0.02
    pos_emb = jax.random.normal(k4, (MAX_POS, HIDDEN), dtype=jnp.float32) * 0.02
    type_emb = jax.random.normal(k5, (TYPE_VOCAB, HIDDEN), dtype=jnp.float32) * 0.02
    gamma = jnp.ones((HIDDEN,), dtype=jnp.float32)
    beta = jnp.zeros((HIDDEN,), dtype=jnp.float32)
    return {"input_ids": input_ids, "token_type_ids": token_type_ids, "word_emb": word_emb, "pos_emb": pos_emb, "type_emb": type_emb, "gamma": gamma, "beta": beta}


def reference(input_ids, token_type_ids, word_emb, pos_emb, type_emb, gamma, beta):
    seq_length = input_ids.shape[1]
    position_ids = jnp.arange(seq_length)[None, :]
    emb = jnp.take(word_emb, input_ids, axis=0) + jnp.take(pos_emb, position_ids, axis=0) + jnp.take(type_emb, token_type_ids, axis=0)
    mean = jnp.mean(emb, axis=-1, keepdims=True)
    var = jnp.mean(jnp.square(emb - mean), axis=-1, keepdims=True)
    normed = (emb - mean) / jnp.sqrt(var + EPS)
    out = normed * gamma + beta
    # dropout is identity in eval mode
    return out

if __name__ == "__main__":
    import jax
    _d = setup_inputs()
    print(jax.jit(kernel)(*tuple(_d.values())))

</pallas_src>

<mosaic_0001>
#map = affine_map<(d0, d1) -> (0)>
#map1 = affine_map<(d0, d1) -> (0, 0)>
module attributes {stable_mosaic.version = 14 : i64} {
  func.func @_sc_body(%arg0: i32, %arg1: i32, %arg2: memref<16384xi32, #tpu.memory_space<hbm>>, %arg3: memref<16384xi32, #tpu.memory_space<hbm>>, %arg4: memref<100000x768xf32, #tpu.memory_space<hbm>>, %arg5: memref<4096x768xf32, #tpu.memory_space<hbm>>, %arg6: memref<2x768xf32, #tpu.memory_space<hbm>>, %arg7: memref<768xf32, #tpu.memory_space<hbm>>, %arg8: memref<768xf32, #tpu.memory_space<hbm>>, %arg9: memref<16384x768xf32, #tpu.memory_space<hbm>>, %arg10: memref<512xi32, #tpu.memory_space<vmem>>, %arg11: memref<528xi32, #tpu.memory_space<vmem>>, %arg12: memref<4x16x768xf32, #tpu.memory_space<vmem>>, %arg13: memref<4x16x768xf32, #tpu.memory_space<vmem>>, %arg14: memref<2x768xf32, #tpu.memory_space<vmem>>, %arg15: memref<32x16xf32, #tpu.memory_space<vmem>>, %arg16: memref<16x768xf32, #tpu.memory_space<vmem>>, %arg17: memref<16xf32, #tpu.memory_space<vmem>>, %arg18: memref<16xf32, #tpu.memory_space<vmem>>, %arg19: memref<4x!tpu.dma_semaphore, #tpu.memory_space<semaphore_mem>>, %arg20: memref<4x!tpu.dma_semaphore, #tpu.memory_space<semaphore_mem>>, %arg21: memref<4x!tpu.dma_semaphore, #tpu.memory_space<semaphore_mem>>) attributes {dimension_semantics = [#tpu.dimension_semantics<core_parallel>, #tpu.dimension_semantics<subcore_parallel>], iteration_bounds = array<i64: 2, 16>, scalar_prefetch = 0 : i64, scratch_operands = 12 : i64, tpu.core_type = #tpu.core_type<sc_vector_subcore>, window_params = [{transform_indices = #map}, {transform_indices = #map}, {transform_indices = #map1}, {transform_indices = #map1}, {transform_indices = #map1}, {transform_indices = #map}, {transform_indices = #map}, {transform_indices = #map1}]} {
    %mul3A = arith.constant 2 : i32
    %mul3A_0 = arith.muli %arg1, %mul3A : i32
    %add3A = arith.addi %mul3A_0, %arg0 : i32
    %mul3A_1 = arith.constant 512 : i32
    %mul3A_2 = arith.muli %add3A, %mul3A_1 : i32
    %rem3A = arith.constant 4096 : i32
    %rem3A_3 = arith.remsi %mul3A_2, %rem3A : i32
    "tpu.region"() ({
      %run_scoped3A = tpu.sem_alloc : memref<!tpu.dma_semaphore, #tpu.memory_space<semaphore_mem>>
      %dma_start3A_105 = tpu.memref_slice %arg2[%mul3A_2] : memref<16384xi32, #tpu.memory_space<hbm>> -> memref<512xi32, #tpu.memory_space<hbm>>
      %dma_start3A_106 = tpu.memref_slice %arg2[%mul3A_2] : memref<16384xi32, #tpu.memory_space<hbm>> -> memref<512xi32, #tpu.memory_space<hbm>>
      tpu.enqueue_dma source(%dma_start3A_106 : memref<512xi32, #tpu.memory_space<hbm>>) target(%arg10 : memref<512xi32, #tpu.memory_space<vmem>>) target_semaphore(%run_scoped3A : memref<!tpu.dma_semaphore, #tpu.memory_space<semaphore_mem>>)
      %dma_wait3A_107 = tpu.memref_slice %arg2[%mul3A_2] : memref<16384xi32, #tpu.memory_space<hbm>> -> memref<512xi32, #tpu.memory_space<hbm>>
      %dma_wait3A_108 = tpu.memref_slice %arg2[%mul3A_2] : memref<16384xi32, #tpu.memory_space<hbm>> -> memref<512xi32, #tpu.memory_space<hbm>>
      tpu.wait_dma2 semaphore(%run_scoped3A : memref<!tpu.dma_semaphore, #tpu.memory_space<semaphore_mem>>) src(%dma_wait3A_108 : memref<512xi32, #tpu.memory_space<hbm>>) dst(%arg10 : memref<512xi32, #tpu.memory_space<vmem>>)
      tpu.yield
    }) : () -> ()
    "tpu.region"() ({
      %run_scoped3A = tpu.sem_alloc : memref<!tpu.dma_semaphore, #tpu.memory_space<semaphore_mem>>
      %dma_start3A_105 = arith.constant 0 : i32
      %dma_start3A_106 = tpu.memref_slice %arg11[%dma_start3A_105] : memref<528xi32, #tpu.memory_space<vmem>> -> memref<512xi32, #tpu.memory_space<vmem>>
      %dma_start3A_107 = tpu.memref_slice %arg3[%mul3A_2] : memref<16384xi32, #tpu.memory_space<hbm>> -> memref<512xi32, #tpu.memory_space<hbm>>
      %dma_start3A_108 = arith.constant 0 : i32
      %dma_start3A_109 = tpu.memref_slice %arg11[%dma_start3A_108] : memref<528xi32, #tpu.memory_space<vmem>> -> memref<512xi32, #tpu.memory_space<vmem>>
      %dma_start3A_110 = tpu.memref_slice %arg3[%mul3A_2] : memref<16384xi32, #tpu.memory_space<hbm>> -> memref<512xi32, #tpu.memory_space<hbm>>
      tpu.enqueue_dma source(%dma_start3A_110 : memref<512xi32, #tpu.memory_space<hbm>>) target(%dma_start3A_109 : memref<512xi32, #tpu.memory_space<vmem>>) target_semaphore(%run_scoped3A : memref<!tpu.dma_semaphore, #tpu.memory_space<semaphore_mem>>)
      %dma_wait3A_111 = arith.constant 0 : i32
      %dma_wait3A_112 = tpu.memref_slice %arg11[%dma_wait3A_111] : memref<528xi32, #tpu.memory_space<vmem>> -> memref<512xi32, #tpu.memory_space<vmem>>
      %dma_wait3A_113 = tpu.memref_slice %arg3[%mul3A_2] : memref<16384xi32, #tpu.memory_space<hbm>> -> memref<512xi32, #tpu.memory_space<hbm>>
      %dma_wait3A_114 = arith.constant 0 : i32
      %dma_wait3A_115 = tpu.memref_slice %arg11[%dma_wait3A_114] : memref<528xi32, #tpu.memory_space<vmem>> -> memref<512xi32, #tpu.memory_space<vmem>>
      %dma_wait3A_116 = tpu.memref_slice %arg3[%mul3A_2] : memref<16384xi32, #tpu.memory_space<hbm>> -> memref<512xi32, #tpu.memory_space<hbm>>
      tpu.wait_dma2 semaphore(%run_scoped3A : memref<!tpu.dma_semaphore, #tpu.memory_space<semaphore_mem>>) src(%dma_wait3A_116 : memref<512xi32, #tpu.memory_space<hbm>>) dst(%dma_wait3A_115 : memref<512xi32, #tpu.memory_space<vmem>>)
      tpu.yield
    }) : () -> ()
    "tpu.region"() ({
      %run_scoped3A = tpu.sem_alloc : memref<!tpu.dma_semaphore, #tpu.memory_space<semaphore_mem>>
      tpu.enqueue_dma source(%arg6 : memref<2x768xf32, #tpu.memory_space<hbm>>) target(%arg14 : memref<2x768xf32, #tpu.memory_space<vmem>>) target_semaphore(%run_scoped3A : memref<!tpu.dma_semaphore, #tpu.memory_space<semaphore_mem>>)
      tpu.wait_dma2 semaphore(%run_scoped3A : memref<!tpu.dma_semaphore, #tpu.memory_space<semaphore_mem>>) src(%arg6 : memref<2x768xf32, #tpu.memory_space<hbm>>) dst(%arg14 : memref<2x768xf32, #tpu.memory_space<vmem>>)
      tpu.yield
    }) : () -> ()
    %iota3A = tpu.iota {dimensions = array<i32: 0>} : vector<16xi32>
    %dma_start3A = arith.constant 0 : i32
    %dma_start3A_4 = arith.constant 0 : i32
    %dma_start3A_5 = arith.constant 0 : i32
    %dma_start3A_6 = arith.constant 0 : i32
    %dma_start3A_7 = tpu.memref_slice %arg12[%dma_start3A, %dma_start3A_5, %dma_start3A_6] : memref<4x16x768xf32, #tpu.memory_space<vmem>> -> memref<1x16x768xf32, #tpu.memory_space<vmem>>
    %dma_start3A_8 = tpu.memref_squeeze %dma_start3A_7 : memref<1x16x768xf32, #tpu.memory_space<vmem>> -> memref<16x768xf32, #tpu.memory_space<vmem>>
    %dma_start3A_9 = arith.constant 0 : i32
    %dma_start3A_10 = tpu.memref_slice %arg10[%dma_start3A_9] : memref<512xi32, #tpu.memory_space<vmem>> -> memref<16xi32, #tpu.memory_space<vmem>>
    %dma_start3A_11 = arith.constant 0 : i32
    %dma_start3A_12 = arith.constant 0 : i32
    %dma_start3A_13 = tpu.memref_slice %arg4[%dma_start3A_11, %dma_start3A_12] : memref<100000x768xf32, #tpu.memory_space<hbm>> -> memref<100000x768xf32, #tpu.memory_space<hbm>>
    %dma_start3A_14 = tpu.memref_slice %arg19[%dma_start3A_4] : memref<4x!tpu.dma_semaphore, #tpu.memory_space<semaphore_mem>> -> memref<1x!tpu.dma_semaphore, #tpu.memory_space<semaphore_mem>>
    %dma_start3A_15 = tpu.memref_squeeze %dma_start3A_14 : memref<1x!tpu.dma_semaphore, #tpu.memory_space<semaphore_mem>> -> memref<!tpu.dma_semaphore, #tpu.memory_space<semaphore_mem>>
    tpu.enqueue_indirect_dma source(%dma_start3A_13 : memref<100000x768xf32, #tpu.memory_space<hbm>>) target(%dma_start3A_8 : memref<16x768xf32, #tpu.memory_space<vmem>>) offsets(%dma_start3A_10 : memref<16xi32, #tpu.memory_space<vmem>>) semaphore(%dma_start3A_15 : memref<!tpu.dma_semaphore, #tpu.memory_space<semaphore_mem>>)
    %add3A_16 = arith.constant 0 : i32
    %add3A_17 = arith.addi %rem3A_3, %add3A_16 : i32
    %dma_start3A_18 = arith.constant 0 : i32
    %dma_start3A_19 = arith.constant 0 : i32
    %dma_start3A_20 = arith.constant 0 : i32
    %dma_start3A_21 = arith.constant 0 : i32
    %dma_start3A_22 = tpu.memref_slice %arg13[%dma_start3A_18, %dma_start3A_20, %dma_start3A_21] : memref<4x16x768xf32, #tpu.memory_space<vmem>> -> memref<1x16x768xf32, #tpu.memory_space<vmem>>
    %dma_start3A_23 = tpu.memref_squeeze %dma_start3A_22 : memref<1x16x768xf32, #tpu.memory_space<vmem>> -> memref<16x768xf32, #tpu.memory_space<vmem>>
    %dma_start3A_24 = arith.constant 0 : i32
    %dma_start3A_25 = tpu.memref_slice %arg5[%add3A_17, %dma_start3A_24] : memref<4096x768xf32, #tpu.memory_space<hbm>> -> memref<16x768xf32, #tpu.memory_space<hbm>>
    %dma_start3A_26 = tpu.memref_slice %arg20[%dma_start3A_19] : memref<4x!tpu.dma_semaphore, #tpu.memory_space<semaphore_mem>> -> memref<1x!tpu.dma_semaphore, #tpu.memory_space<semaphore_mem>>
    %dma_start3A_27 = tpu.memref_squeeze %dma_start3A_26 : memref<1x!tpu.dma_semaphore, #tpu.memory_space<semaphore_mem>> -> memref<!tpu.dma_semaphore, #tpu.memory_space<semaphore_mem>>
    %dma_start3A_28 = arith.constant 0 : i32
    %dma_start3A_29 = arith.constant 0 : i32
    %dma_start3A_30 = tpu.memref_slice %arg13[%dma_start3A_18, %dma_start3A_28, %dma_start3A_29] : memref<4x16x768xf32, #tpu.memory_space<vmem>> -> memref<1x16x768xf32, #tpu.memory_space<vmem>>
    %dma_start3A_31 = tpu.memref_squeeze %dma_start3A_30 : memref<1x16x768xf32, #tpu.memory_space<vmem>> -> memref<16x768xf32, #tpu.memory_space<vmem>>
    %dma_start3A_32 = arith.constant 0 : i32
    %dma_start3A_33 = tpu.memref_slice %arg5[%add3A_17, %dma_start3A_32] : memref<4096x768xf32, #tpu.memory_space<hbm>> -> memref<16x768xf32, #tpu.memory_space<hbm>>
    tpu.enqueue_dma source(%dma_start3A_33 : memref<16x768xf32, #tpu.memory_space<hbm>>) target(%dma_start3A_31 : memref<16x768xf32, #tpu.memory_space<vmem>>) target_semaphore(%dma_start3A_27 : memref<!tpu.dma_semaphore, #tpu.memory_space<semaphore_mem>>)
    %dma_start3A_34 = arith.constant 1 : i32
    %dma_start3A_35 = arith.constant 1 : i32
    %dma_start3A_36 = arith.constant 0 : i32
    %dma_start3A_37 = arith.constant 0 : i32
    %dma_start3A_38 = tpu.memref_slice %arg12[%dma_start3A_34, %dma_start3A_36, %dma_start3A_37] : memref<4x16x768xf32, #tpu.memory_space<vmem>> -> memref<1x16x768xf32, #tpu.memory_space<vmem>>
    %dma_start3A_39 = tpu.memref_squeeze %dma_start3A_38 : memref<1x16x768xf32, #tpu.memory_space<vmem>> -> memref<16x768xf32, #tpu.memory_space<vmem>>
    %dma_start3A_40 = arith.constant 16 : i32
    %dma_start3A_41 = tpu.memref_slice %arg10[%dma_start3A_40] : memref<512xi32, #tpu.memory_space<vmem>> -> memref<16xi32, #tpu.memory_space<vmem>>
    %dma_start3A_42 = arith.constant 0 : i32
    %dma_start3A_43 = arith.constant 0 : i32
    %dma_start3A_44 = tpu.memref_slice %arg4[%dma_start3A_42, %dma_start3A_43] : memref<100000x768xf32, #tpu.memory_space<hbm>> -> memref<100000x768xf32, #tpu.memory_space<hbm>>
    %dma_start3A_45 = tpu.memref_slice %arg19[%dma_start3A_35] : memref<4x!tpu.dma_semaphore, #tpu.memory_space<semaphore_mem>> -> memref<1x!tpu.dma_semaphore, #tpu.memory_space<semaphore_mem>>
    %dma_start3A_46 = tpu.memref_squeeze %dma_start3A_45 : memref<1x!tpu.dma_semaphore, #tpu.memory_space<semaphore_mem>> -> memref<!tpu.dma_semaphore, #tpu.memory_space<semaphore_mem>>
    tpu.enqueue_indirect_dma source(%dma_start3A_44 : memref<100000x768xf32, #tpu.memory_space<hbm>>) target(%dma_start3A_39 : memref<16x768xf32, #tpu.memory_space<vmem>>) offsets(%dma_start3A_41 : memref<16xi32, #tpu.memory_space<vmem>>) semaphore(%dma_start3A_46 : memref<!tpu.dma_semaphore, #tpu.memory_space<semaphore_mem>>)
    %add3A_47 = arith.constant 16 : i32
    %add3A_48 = arith.addi %rem3A_3, %add3A_47 : i32
    %dma_start3A_49 = arith.constant 1 : i32
    %dma_start3A_50 = arith.constant 1 : i32
    %dma_start3A_51 = arith.constant 0 : i32
    %dma_start3A_52 = arith.constant 0 : i32
    %dma_start3A_53 = tpu.memref_slice %arg13[%dma_start3A_49, %dma_start3A_51, %dma_start3A_52] : memref<4x16x768xf32, #tpu.memory_space<vmem>> -> memref<1x16x768xf32, #tpu.memory_space<vmem>>
    %dma_start3A_54 = tpu.memref_squeeze %dma_start3A_53 : memref<1x16x768xf32, #tpu.memory_space<vmem>> -> memref<16x768xf32, #tpu.memory_space<vmem>>
    %dma_start3A_55 = arith.constant 0 : i32
    %dma_start3A_56 = tpu.memref_slice %arg5[%add3A_48, %dma_start3A_55] : memref<4096x768xf32, #tpu.memory_space<hbm>> -> memref<16x768xf32, #tpu.memory_space<hbm>>
    %dma_start3A_57 = tpu.memref_slice %arg20[%dma_start3A_50] : memref<4x!tpu.dma_semaphore, #tpu.memory_space<semaphore_mem>> -> memref<1x!tpu.dma_semaphore, #tpu.memory_space<semaphore_mem>>
    %dma_start3A_58 = tpu.memref_squeeze %dma_start3A_57 : memref<1x!tpu.dma_semaphore, #tpu.memory_space<semaphore_mem>> -> memref<!tpu.dma_semaphore, #tpu.memory_space<semaphore_mem>>
    %dma_start3A_59 = arith.constant 0 : i32
    %dma_start3A_60 = arith.constant 0 : i32
    %dma_start3A_61 = tpu.memref_slice %arg13[%dma_start3A_49, %dma_start3A_59, %dma_start3A_60] : memref<4x16x768xf32, #tpu.memory_space<vmem>> -> memref<1x16x768xf32, #tpu.memory_space<vmem>>
    %dma_start3A_62 = tpu.memref_squeeze %dma_start3A_61 : memref<1x16x768xf32, #tpu.memory_space<vmem>> -> memref<16x768xf32, #tpu.memory_space<vmem>>
    %dma_start3A_63 = arith.constant 0 : i32
    %dma_start3A_64 = tpu.memref_slice %arg5[%add3A_48, %dma_start3A_63] : memref<4096x768xf32, #tpu.memory_space<hbm>> -> memref<16x768xf32, #tpu.memory_space<hbm>>
    tpu.enqueue_dma source(%dma_start3A_64 : memref<16x768xf32, #tpu.memory_space<hbm>>) target(%dma_start3A_62 : memref<16x768xf32, #tpu.memory_space<vmem>>) target_semaphore(%dma_start3A_58 : memref<!tpu.dma_semaphore, #tpu.memory_space<semaphore_mem>>)
    %scan3A = arith.constant 0 : i32
    %scan3A_65 = arith.constant 0 : i32
    %scan3A_66 = arith.constant 8 : i32
    %scan3A_67 = arith.addi %scan3A_65, %scan3A_66 : i32
    %scan3A_68 = arith.constant 1 : i32
    scf.for %scan3A_105 = %scan3A_65 to %scan3A_67 step %scan3A_68  : i32 {
      %mul3A_106 = arith.constant 4 : i32
      %mul3A_107 = arith.muli %scan3A_105, %mul3A_106 : i32
      %add3A_108 = arith.constant 0 : i32
      %add3A_109 = arith.addi %mul3A_107, %add3A_108 : i32
      %ge3A = arith.constant 2 : i32
      %ge3A_110 = arith.cmpi sge, %add3A_109, %ge3A : i32
      %convert_element_type3A = arith.extui %ge3A_110 : i1 to i32
      %cond3A = arith.constant 0 : i32
      %cond3A_111 = arith.cmpi ne, %convert_element_type3A, %cond3A : i32
      scf.if %cond3A_111 {
        %dma_wait3A_386 = arith.constant 2 : i32
        %dma_wait3A_387 = arith.constant 2 : i32
        %dma_wait3A_388 = arith.constant 0 : i32
        %dma_wait3A_389 = arith.constant 0 : i32
        %dma_wait3A_390 = tpu.memref_slice %arg12[%dma_wait3A_386, %dma_wait3A_388, %dma_wait3A_389] : memref<4x16x768xf32, #tpu.memory_space<vmem>> -> memref<1x16x768xf32, #tpu.memory_space<vmem>>
        %dma_wait3A_391 = tpu.memref_squeeze %dma_wait3A_390 : memref<1x16x768xf32, #tpu.memory_space<vmem>> -> memref<16x768xf32, #tpu.memory_space<vmem>>
        %dma_wait3A_392 = arith.constant 0 : i32
        %dma_wait3A_393 = arith.constant 0 : i32
        %dma_wait3A_394 = tpu.memref_slice %arg9[%dma_wait3A_392, %dma_wait3A_393] : memref<16384x768xf32, #tpu.memory_space<hbm>> -> memref<16x768xf32, #tpu.memory_space<hbm>>
        %dma_wait3A_395 = tpu.memref_slice %arg21[%dma_wait3A_387] : memref<4x!tpu.dma_semaphore, #tpu.memory_space<semaphore_mem>> -> memref<1x!tpu.dma_semaphore, #tpu.memory_space<semaphore_mem>>
        %dma_wait3A_396 = tpu.memref_squeeze %dma_wait3A_395 : memref<1x!tpu.dma_semaphore, #tpu.memory_space<semaphore_mem>> -> memref<!tpu.dma_semaphore, #tpu.memory_space<semaphore_mem>>
        %dma_wait3A_397 = arith.constant 0 : i32
        %dma_wait3A_398 = arith.constant 0 : i32
        %dma_wait3A_399 = tpu.memref_slice %arg9[%dma_wait3A_397, %dma_wait3A_398] : memref<16384x768xf32, #tpu.memory_space<hbm>> -> memref<16x768xf32, #tpu.memory_space<hbm>>
        %dma_wait3A_400 = arith.constant 0 : i32
        %dma_wait3A_401 = arith.constant 0 : i32
        %dma_wait3A_402 = tpu.memref_slice %arg12[%dma_wait3A_386, %dma_wait3A_400, %dma_wait3A_401] : memref<4x16x768xf32, #tpu.memory_space<vmem>> -> memref<1x16x768xf32, #tpu.memory_space<vmem>>
        %dma_wait3A_403 = tpu.memref_squeeze %dma_wait3A_402 : memref<1x16x768xf32, #tpu.memory_space<vmem>> -> memref<16x768xf32, #tpu.memory_space<vmem>>
        tpu.wait_dma2 semaphore(%dma_wait3A_396 : memref<!tpu.dma_semaphore, #tpu.memory_space<semaphore_mem>>) src(%dma_wait3A_403 : memref<16x768xf32, #tpu.memory_space<vmem>>) dst(%dma_wait3A_399 : memref<16x768xf32, #tpu.memory_space<hbm>>)
      } else {
      }
      %add3A_112 = arith.constant 2 : i32
      %add3A_113 = arith.addi %add3A_109, %add3A_112 : i32
      %lt3A = arith.constant 32 : i32
      %lt3A_114 = arith.cmpi slt, %add3A_113, %lt3A : i32
      %convert_element_type3A_115 = arith.extui %lt3A_114 : i1 to i32
      %cond3A_116 = arith.constant 0 : i32
      %cond3A_117 = arith.cmpi ne, %convert_element_type3A_115, %cond3A_116 : i32
      scf.if %cond3A_117 {
        %add3A_386 = arith.constant 2 : i32
        %add3A_387 = arith.addi %add3A_109, %add3A_386 : i32
        %mul3A_388 = arith.constant 16 : i32
        %mul3A_389 = arith.muli %add3A_387, %mul3A_388 : i32
        %dma_start3A_390 = arith.constant 2 : i32
        %dma_start3A_391 = arith.constant 2 : i32
        %dma_start3A_392 = arith.constant 0 : i32
        %dma_start3A_393 = arith.constant 0 : i32
        %dma_start3A_394 = tpu.memref_slice %arg12[%dma_start3A_390, %dma_start3A_392, %dma_start3A_393] : memref<4x16x768xf32, #tpu.memory_space<vmem>> -> memref<1x16x768xf32, #tpu.memory_space<vmem>>
        %dma_start3A_395 = tpu.memref_squeeze %dma_start3A_394 : memref<1x16x768xf32, #tpu.memory_space<vmem>> -> memref<16x768xf32, #tpu.memory_space<vmem>>
        %dma_start3A_396 = tpu.memref_slice %arg10[%mul3A_389] : memref<512xi32, #tpu.memory_space<vmem>> -> memref<16xi32, #tpu.memory_space<vmem>>
        %dma_start3A_397 = arith.constant 0 : i32
        %dma_start3A_398 = arith.constant 0 : i32
        %dma_start3A_399 = tpu.memref_slice %arg4[%dma_start3A_397, %dma_start3A_398] : memref<100000x768xf32, #tpu.memory_space<hbm>> -> memref<100000x768xf32, #tpu.memory_space<hbm>>
        %dma_start3A_400 = tpu.memref_slice %arg19[%dma_start3A_391] : memref<4x!tpu.dma_semaphore, #tpu.memory_space<semaphore_mem>> -> memref<1x!tpu.dma_semaphore, #tpu.memory_space<semaphore_mem>>
        %dma_start3A_401 = tpu.memref_squeeze %dma_start3A_400 : memref<1x!tpu.dma_semaphore, #tpu.memory_space<semaphore_mem>> -> memref<!tpu.dma_semaphore, #tpu.memory_space<semaphore_mem>>
        tpu.enqueue_indirect_dma source(%dma_start3A_399 : memref<100000x768xf32, #tpu.memory_space<hbm>>) target(%dma_start3A_395 : memref<16x768xf32, #tpu.memory_space<vmem>>) offsets(%dma_start3A_396 : memref<16xi32, #tpu.memory_space<vmem>>) semaphore(%dma_start3A_401 : memref<!tpu.dma_semaphore, #tpu.memory_space<semaphore_mem>>)
        %mul3A_402 = arith.constant 16 : i32
        %mul3A_403 = arith.muli %add3A_387, %mul3A_402 : i32
        %add3A_404 = arith.addi %rem3A_3, %mul3A_403 : i32
        %dma_start3A_405 = arith.constant 2 : i32
        %dma_start3A_406 = arith.constant 2 : i32
        %dma_start3A_407 = arith.constant 0 : i32
        %dma_start3A_408 = arith.constant 0 : i32
        %dma_start3A_409 = tpu.memref_slice %arg13[%dma_start3A_405, %dma_start3A_407, %dma_start3A_408] : memref<4x16x768xf32, #tpu.memory_space<vmem>> -> memref<1x16x768xf32, #tpu.memory_space<vmem>>
        %dma_start3A_410 = tpu.memref_squeeze %dma_start3A_409 : memref<1x16x768xf32, #tpu.memory_space<vmem>> -> memref<16x768xf32, #tpu.memory_space<vmem>>
        %dma_start3A_411 = arith.constant 0 : i32
        %dma_start3A_412 = tpu.memref_slice %arg5[%add3A_404, %dma_start3A_411] : memref<4096x768xf32, #tpu.memory_space<hbm>> -> memref<16x768xf32, #tpu.memory_space<hbm>>
        %dma_start3A_413 = tpu.memref_slice %arg20[%dma_start3A_406] : memref<4x!tpu.dma_semaphore, #tpu.memory_space<semaphore_mem>> -> memref<1x!tpu.dma_semaphore, #tpu.memory_space<semaphore_mem>>
        %dma_start3A_414 = tpu.memref_squeeze %dma_start3A_413 : memref<1x!tpu.dma_semaphore, #tpu.memory_space<semaphore_mem>> -> memref<!tpu.dma_semaphore, #tpu.memory_space<semaphore_mem>>
        %dma_start3A_415 = arith.constant 0 : i32
        %dma_start3A_416 = arith.constant 0 : i32
        %dma_start3A_417 = tpu.memref_slice %arg13[%dma_start3A_405, %dma_start3A_415, %dma_start3A_416] : memref<4x16x768xf32, #tpu.memory_space<vmem>> -> memref<1x16x768xf32, #tpu.memory_space<vmem>>
        %dma_start3A_418 = tpu.memref_squeeze %dma_start3A_417 : memref<1x16x768xf32, #tpu.memory_space<vmem>> -> memref<16x768xf32, #tpu.memory_space<vmem>>
        %dma_start3A_419 = arith.constant 0 : i32
        %dma_start3A_420 = tpu.memref_slice %arg5[%add3A_404, %dma_start3A_419] : memref<4096x768xf32, #tpu.memory_space<hbm>> -> memref<16x768xf32, #tpu.memory_space<hbm>>
        tpu.enqueue_dma source(%dma_start3A_420 : memref<16x768xf32, #tpu.memory_space<hbm>>) target(%dma_start3A_418 : memref<16x768xf32, #tpu.memory_space<vmem>>) target_semaphore(%dma_start3A_414 : memref<!tpu.dma_semaphore, #tpu.memory_space<semaphore_mem>>)
      } else {
      }
      %dma_wait3A_118 = arith.constant 0 : i32
      %dma_wait3A_119 = arith.constant 0 : i32
      %dma_wait3A_120 = arith.constant 0 : i32
      %dma_wait3A_121 = arith.constant 0 : i32
      %dma_wait3A_122 = tpu.memref_slice %arg12[%dma_wait3A_118, %dma_wait3A_120, %dma_wait3A_121] : memref<4x16x768xf32, #tpu.memory_space<vmem>> -> memref<1x16x768xf32, #tpu.memory_space<vmem>>
      %dma_wait3A_123 = tpu.memref_squeeze %dma_wait3A_122 : memref<1x16x768xf32, #tpu.memory_space<vmem>> -> memref<16x768xf32, #tpu.memory_space<vmem>>
      %dma_wait3A_124 = arith.constant 0 : i32
      %dma_wait3A_125 = arith.constant 0 : i32
      %dma_wait3A_126 = tpu.memref_slice %arg4[%dma_wait3A_124, %dma_wait3A_125] : memref<100000x768xf32, #tpu.memory_space<hbm>> -> memref<16x768xf32, #tpu.memory_space<hbm>>
      %dma_wait3A_127 = tpu.memref_slice %arg19[%dma_wait3A_119] : memref<4x!tpu.dma_semaphore, #tpu.memory_space<semaphore_mem>> -> memref<1x!tpu.dma_semaphore, #tpu.memory_space<semaphore_mem>>
      %dma_wait3A_128 = tpu.memref_squeeze %dma_wait3A_127 : memref<1x!tpu.dma_semaphore, #tpu.memory_space<semaphore_mem>> -> memref<!tpu.dma_semaphore, #tpu.memory_space<semaphore_mem>>
      %dma_wait3A_129 = arith.constant 0 : i32
      %dma_wait3A_130 = arith.constant 0 : i32
      %dma_wait3A_131 = tpu.memref_slice %arg12[%dma_wait3A_118, %dma_wait3A_129, %dma_wait3A_130] : memref<4x16x768xf32, #tpu.memory_space<vmem>> -> memref<1x16x768xf32, #tpu.memory_space<vmem>>
      %dma_wait3A_132 = tpu.memref_squeeze %dma_wait3A_131 : memref<1x16x768xf32, #tpu.memory_space<vmem>> -> memref<16x768xf32, #tpu.memory_space<vmem>>
      %dma_wait3A_133 = arith.constant 0 : i32
      %dma_wait3A_134 = arith.constant 0 : i32
      %dma_wait3A_135 = tpu.memref_slice %arg4[%dma_wait3A_133, %dma_wait3A_134] : memref<100000x768xf32, #tpu.memory_space<hbm>> -> memref<16x768xf32, #tpu.memory_space<hbm>>
      tpu.wait_dma2 semaphore(%dma_wait3A_128 : memref<!tpu.dma_semaphore, #tpu.memory_space<semaphore_mem>>) src(%dma_wait3A_135 : memref<16x768xf32, #tpu.memory_space<hbm>>) dst(%dma_wait3A_132 : memref<16x768xf32, #tpu.memory_space<vmem>>)
      %dma_wait3A_136 = arith.constant 0 : i32
      %dma_wait3A_137 = arith.constant 0 : i32
      %dma_wait3A_138 = arith.constant 0 : i32
      %dma_wait3A_139 = arith.constant 0 : i32
      %dma_wait3A_140 = tpu.memref_slice %arg13[%dma_wait3A_136, %dma_wait3A_138, %dma_wait3A_139] : memref<4x16x768xf32, #tpu.memory_space<vmem>> -> memref<1x16x768xf32, #tpu.memory_space<vmem>>
      %dma_wait3A_141 = tpu.memref_squeeze %dma_wait3A_140 : memref<1x16x768xf32, #tpu.memory_space<vmem>> -> memref<16x768xf32, #tpu.memory_space<vmem>>
      %dma_wait3A_142 = arith.constant 0 : i32
      %dma_wait3A_143 = arith.constant 0 : i32
      %dma_wait3A_144 = tpu.memref_slice %arg5[%dma_wait3A_142, %dma_wait3A_143] : memref<4096x768xf32, #tpu.memory_space<hbm>> -> memref<16x768xf32, #tpu.memory_space<hbm>>
      %dma_wait3A_145 = tpu.memref_slice %arg20[%dma_wait3A_137] : memref<4x!tpu.dma_semaphore, #tpu.memory_space<semaphore_mem>> -> memref<1x!tpu.dma_semaphore, #tpu.memory_space<semaphore_mem>>
      %dma_wait3A_146 = tpu.memref_squeeze %dma_wait3A_145 : memref<1x!tpu.dma_semaphore, #tpu.memory_space<semaphore_mem>> -> memref<!tpu.dma_semaphore, #tpu.memory_space<semaphore_mem>>
      %dma_wait3A_147 = arith.constant 0 : i32
      %dma_wait3A_148 = arith.constant 0 : i32
      %dma_wait3A_149 = tpu.memref_slice %arg13[%dma_wait3A_136, %dma_wait3A_147, %dma_wait3A_148] : memref<4x16x768xf32, #tpu.memory_space<vmem>> -> memref<1x16x768xf32, #tpu.memory_space<vmem>>
      %dma_wait3A_150 = tpu.memref_squeeze %dma_wait3A_149 : memref<1x16x768xf32, #tpu.memory_space<vmem>> -> memref<16x768xf32, #tpu.memory_space<vmem>>
      %dma_wait3A_151 = arith.constant 0 : i32
      %dma_wait3A_152 = arith.constant 0 : i32
      %dma_wait3A_153 = tpu.memref_slice %arg5[%dma_wait3A_151, %dma_wait3A_152] : memref<4096x768xf32, #tpu.memory_space<hbm>> -> memref<16x768xf32, #tpu.memory_space<hbm>>
      tpu.wait_dma2 semaphore(%dma_wait3A_146 : memref<!tpu.dma_semaphore, #tpu.memory_space<semaphore_mem>>) src(%dma_wait3A_153 : memref<16x768xf32, #tpu.memory_space<hbm>>) dst(%dma_wait3A_150 : memref<16x768xf32, #tpu.memory_space<vmem>>)
      %mul3A_154 = arith.constant 16 : i32
      %mul3A_155 = arith.muli %add3A_109, %mul3A_154 : i32
      %add3A_156 = arith.addi %mul3A_2, %mul3A_155 : i32
      %dma_start3A_157 = arith.constant 0 : i32
      %dma_start3A_158 = arith.constant 0 : i32
      %dma_start3A_159 = arith.constant 0 : i32
      %dma_start3A_160 = arith.constant 0 : i32
      %dma_start3A_161 = tpu.memref_slice %arg12[%dma_start3A_157, %dma_start3A_159, %dma_start3A_160] : memref<4x16x768xf32, #tpu.memory_space<vmem>> -> memref<1x16x768xf32, #tpu.memory_space<vmem>>
      %dma_start3A_162 = tpu.memref_squeeze %dma_start3A_161 : memref<1x16x768xf32, #tpu.memory_space<vmem>> -> memref<16x768xf32, #tpu.memory_space<vmem>>
      %dma_start3A_163 = arith.constant 0 : i32
      %dma_start3A_164 = tpu.memref_slice %arg9[%add3A_156, %dma_start3A_163] : memref<16384x768xf32, #tpu.memory_space<hbm>> -> memref<16x768xf32, #tpu.memory_space<hbm>>
      %dma_start3A_165 = tpu.memref_slice %arg21[%dma_start3A_158] : memref<4x!tpu.dma_semaphore, #tpu.memory_space<semaphore_mem>> -> memref<1x!tpu.dma_semaphore, #tpu.memory_space<semaphore_mem>>
      %dma_start3A_166 = tpu.memref_squeeze %dma_start3A_165 : memref<1x!tpu.dma_semaphore, #tpu.memory_space<semaphore_mem>> -> memref<!tpu.dma_semaphore, #tpu.memory_space<semaphore_mem>>
      %dma_start3A_167 = arith.constant 0 : i32
      %dma_start3A_168 = tpu.memref_slice %arg9[%add3A_156, %dma_start3A_167] : memref<16384x768xf32, #tpu.memory_space<hbm>> -> memref<16x768xf32, #tpu.memory_space<hbm>>
      %dma_start3A_169 = arith.constant 0 : i32
      %dma_start3A_170 = arith.constant 0 : i32
      %dma_start3A_171 = tpu.memref_slice %arg12[%dma_start3A_157, %dma_start3A_169, %dma_start3A_170] : memref<4x16x768xf32, #tpu.memory_space<vmem>> -> memref<1x16x768xf32, #tpu.memory_space<vmem>>
      %dma_start3A_172 = tpu.memref_squeeze %dma_start3A_171 : memref<1x16x768xf32, #tpu.memory_space<vmem>> -> memref<16x768xf32, #tpu.memory_space<vmem>>
      tpu.enqueue_dma source(%dma_start3A_172 : memref<16x768xf32, #tpu.memory_space<vmem>>) target(%dma_start3A_168 : memref<16x768xf32, #tpu.memory_space<hbm>>) target_semaphore(%dma_start3A_166 : memref<!tpu.dma_semaphore, #tpu.memory_space<semaphore_mem>>)
      %mul3A_173 = arith.constant 4 : i32
      %mul3A_174 = arith.muli %scan3A_105, %mul3A_173 : i32
      %add3A_175 = arith.constant 1 : i32
      %add3A_176 = arith.addi %mul3A_174, %add3A_175 : i32
      %ge3A_177 = arith.constant 2 : i32
      %ge3A_178 = arith.cmpi sge, %add3A_176, %ge3A_177 : i32
      %convert_element_type3A_179 = arith.extui %ge3A_178 : i1 to i32
      %cond3A_180 = arith.constant 0 : i32
      %cond3A_181 = arith.cmpi ne, %convert_element_type3A_179, %cond3A_180 : i32
      scf.if %cond3A_181 {
        %dma_wait3A_386 = arith.constant 3 : i32
        %dma_wait3A_387 = arith.constant 3 : i32
        %dma_wait3A_388 = arith.constant 0 : i32
        %dma_wait3A_389 = arith.constant 0 : i32
        %dma_wait3A_390 = tpu.memref_slice %arg12[%dma_wait3A_386, %dma_wait3A_388, %dma_wait3A_389] : memref<4x16x768xf32, #tpu.memory_space<vmem>> -> memref<1x16x768xf32, #tpu.memory_space<vmem>>
        %dma_wait3A_391 = tpu.memref_squeeze %dma_wait3A_390 : memref<1x16x768xf32, #tpu.memory_space<vmem>> -> memref<16x768xf32, #tpu.memory_space<vmem>>
        %dma_wait3A_392 = arith.constant 0 : i32
        %dma_wait3A_393 = arith.constant 0 : i32
        %dma_wait3A_394 = tpu.memref_slice %arg9[%dma_wait3A_392, %dma_wait3A_393] : memref<16384x768xf32, #tpu.memory_space<hbm>> -> memref<16x768xf32, #tpu.memory_space<hbm>>
        %dma_wait3A_395 = tpu.memref_slice %arg21[%dma_wait3A_387] : memref<4x!tpu.dma_semaphore, #tpu.memory_space<semaphore_mem>> -> memref<1x!tpu.dma_semaphore, #tpu.memory_space<semaphore_mem>>
        %dma_wait3A_396 = tpu.memref_squeeze %dma_wait3A_395 : memref<1x!tpu.dma_semaphore, #tpu.memory_space<semaphore_mem>> -> memref<!tpu.dma_semaphore, #tpu.memory_space<semaphore_mem>>
        %dma_wait3A_397 = arith.constant 0 : i32
        %dma_wait3A_398 = arith.constant 0 : i32
        %dma_wait3A_399 = tpu.memref_slice %arg9[%dma_wait3A_397, %dma_wait3A_398] : memref<16384x768xf32, #tpu.memory_space<hbm>> -> memref<16x768xf32, #tpu.memory_space<hbm>>
        %dma_wait3A_400 = arith.constant 0 : i32
        %dma_wait3A_401 = arith.constant 0 : i32
        %dma_wait3A_402 = tpu.memref_slice %arg12[%dma_wait3A_386, %dma_wait3A_400, %dma_wait3A_401] : memref<4x16x768xf32, #tpu.memory_space<vmem>> -> memref<1x16x768xf32, #tpu.memory_space<vmem>>
        %dma_wait3A_403 = tpu.memref_squeeze %dma_wait3A_402 : memref<1x16x768xf32, #tpu.memory_space<vmem>> -> memref<16x768xf32, #tpu.memory_space<vmem>>
        tpu.wait_dma2 semaphore(%dma_wait3A_396 : memref<!tpu.dma_semaphore, #tpu.memory_space<semaphore_mem>>) src(%dma_wait3A_403 : memref<16x768xf32, #tpu.memory_space<vmem>>) dst(%dma_wait3A_399 : memref<16x768xf32, #tpu.memory_space<hbm>>)
      } else {
      }
      %add3A_182 = arith.constant 2 : i32
      %add3A_183 = arith.addi %add3A_176, %add3A_182 : i32
      %lt3A_184 = arith.constant 32 : i32
      %lt3A_185 = arith.cmpi slt, %add3A_183, %lt3A_184 : i32
      %convert_element_type3A_186 = arith.extui %lt3A_185 : i1 to i32
      %cond3A_187 = arith.constant 0 : i32
      %cond3A_188 = arith.cmpi ne, %convert_element_type3A_186, %cond3A_187 : i32
      scf.if %cond3A_188 {
        %add3A_386 = arith.constant 2 : i32
        %add3A_387 = arith.addi %add3A_176, %add3A_386 : i32
        %mul3A_388 = arith.constant 16 : i32
        %mul3A_389 = arith.muli %add3A_387, %mul3A_388 : i32
        %dma_start3A_390 = arith.constant 3 : i32
        %dma_start3A_391 = arith.constant 3 : i32
        %dma_start3A_392 = arith.constant 0 : i32
        %dma_start3A_393 = arith.constant 0 : i32
        %dma_start3A_394 = tpu.memref_slice %arg12[%dma_start3A_390, %dma_start3A_392, %dma_start3A_393] : memref<4x16x768xf32, #tpu.memory_space<vmem>> -> memref<1x16x768xf32, #tpu.memory_space<vmem>>
        %dma_start3A_395 = tpu.memref_squeeze %dma_start3A_394 : memref<1x16x768xf32, #tpu.memory_space<vmem>> -> memref<16x768xf32, #tpu.memory_space<vmem>>
        %dma_start3A_396 = tpu.memref_slice %arg10[%mul3A_389] : memref<512xi32, #tpu.memory_space<vmem>> -> memref<16xi32, #tpu.memory_space<vmem>>
        %dma_start3A_397 = arith.constant 0 : i32
        %dma_start3A_398 = arith.constant 0 : i32
        %dma_start3A_399 = tpu.memref_slice %arg4[%dma_start3A_397, %dma_start3A_398] : memref<100000x768xf32, #tpu.memory_space<hbm>> -> memref<100000x768xf32, #tpu.memory_space<hbm>>
        %dma_start3A_400 = tpu.memref_slice %arg19[%dma_start3A_391] : memref<4x!tpu.dma_semaphore, #tpu.memory_space<semaphore_mem>> -> memref<1x!tpu.dma_semaphore, #tpu.memory_space<semaphore_mem>>
        %dma_start3A_401 = tpu.memref_squeeze %dma_start3A_400 : memref<1x!tpu.dma_semaphore, #tpu.memory_space<semaphore_mem>> -> memref<!tpu.dma_semaphore, #tpu.memory_space<semaphore_mem>>
        tpu.enqueue_indirect_dma source(%dma_start3A_399 : memref<100000x768xf32, #tpu.memory_space<hbm>>) target(%dma_start3A_395 : memref<16x768xf32, #tpu.memory_space<vmem>>) offsets(%dma_start3A_396 : memref<16xi32, #tpu.memory_space<vmem>>) semaphore(%dma_start3A_401 : memref<!tpu.dma_semaphore, #tpu.memory_space<semaphore_mem>>)
        %mul3A_402 = arith.constant 16 : i32
        %mul3A_403 = arith.muli %add3A_387, %mul3A_402 : i32
        %add3A_404 = arith.addi %rem3A_3, %mul3A_403 : i32
        %dma_start3A_405 = arith.constant 3 : i32
        %dma_start3A_406 = arith.constant 3 : i32
        %dma_start3A_407 = arith.constant 0 : i32
        %dma_start3A_408 = arith.constant 0 : i32
        %dma_start3A_409 = tpu.memref_slice %arg13[%dma_start3A_405, %dma_start3A_407, %dma_start3A_408] : memref<4x16x768xf32, #tpu.memory_space<vmem>> -> memref<1x16x768xf32, #tpu.memory_space<vmem>>
        %dma_start3A_410 = tpu.memref_squeeze %dma_start3A_409 : memref<1x16x768xf32, #tpu.memory_space<vmem>> -> memref<16x768xf32, #tpu.memory_space<vmem>>
        %dma_start3A_411 = arith.constant 0 : i32
        %dma_start3A_412 = tpu.memref_slice %arg5[%add3A_404, %dma_start3A_411] : memref<4096x768xf32, #tpu.memory_space<hbm>> -> memref<16x768xf32, #tpu.memory_space<hbm>>
        %dma_start3A_413 = tpu.memref_slice %arg20[%dma_start3A_406] : memref<4x!tpu.dma_semaphore, #tpu.memory_space<semaphore_mem>> -> memref<1x!tpu.dma_semaphore, #tpu.memory_space<semaphore_mem>>
        %dma_start3A_414 = tpu.memref_squeeze %dma_start3A_413 : memref<1x!tpu.dma_semaphore, #tpu.memory_space<semaphore_mem>> -> memref<!tpu.dma_semaphore, #tpu.memory_space<semaphore_mem>>
        %dma_start3A_415 = arith.constant 0 : i32
        %dma_start3A_416 = arith.constant 0 : i32
        %dma_start3A_417 = tpu.memref_slice %arg13[%dma_start3A_405, %dma_start3A_415, %dma_start3A_416] : memref<4x16x768xf32, #tpu.memory_space<vmem>> -> memref<1x16x768xf32, #tpu.memory_space<vmem>>
        %dma_start3A_418 = tpu.memref_squeeze %dma_start3A_417 : memref<1x16x768xf32, #tpu.memory_space<vmem>> -> memref<16x768xf32, #tpu.memory_space<vmem>>
        %dma_start3A_419 = arith.constant 0 : i32
        %dma_start3A_420 = tpu.memref_slice %arg5[%add3A_404, %dma_start3A_419] : memref<4096x768xf32, #tpu.memory_space<hbm>> -> memref<16x768xf32, #tpu.memory_space<hbm>>
        tpu.enqueue_dma source(%dma_start3A_420 : memref<16x768xf32, #tpu.memory_space<hbm>>) target(%dma_start3A_418 : memref<16x768xf32, #tpu.memory_space<vmem>>) target_semaphore(%dma_start3A_414 : memref<!tpu.dma_semaphore, #tpu.memory_space<semaphore_mem>>)
      } else {
      }
      %dma_wait3A_189 = arith.constant 1 : i32
      %dma_wait3A_190 = arith.constant 1 : i32
      %dma_wait3A_191 = arith.constant 0 : i32
      %dma_wait3A_192 = arith.constant 0 : i32
      %dma_wait3A_193 = tpu.memref_slice %arg12[%dma_wait3A_189, %dma_wait3A_191, %dma_wait3A_192] : memref<4x16x768xf32, #tpu.memory_space<vmem>> -> memref<1x16x768xf32, #tpu.memory_space<vmem>>
      %dma_wait3A_194 = tpu.memref_squeeze %dma_wait3A_193 : memref<1x16x768xf32, #tpu.memory_space<vmem>> -> memref<16x768xf32, #tpu.memory_space<vmem>>
      %dma_wait3A_195 = arith.constant 0 : i32
      %dma_wait3A_196 = arith.constant 0 : i32
      %dma_wait3A_197 = tpu.memref_slice %arg4[%dma_wait3A_195, %dma_wait3A_196] : memref<100000x768xf32, #tpu.memory_space<hbm>> -> memref<16x768xf32, #tpu.memory_space<hbm>>
      %dma_wait3A_198 = tpu.memref_slice %arg19[%dma_wait3A_190] : memref<4x!tpu.dma_semaphore, #tpu.memory_space<semaphore_mem>> -> memref<1x!tpu.dma_semaphore, #tpu.memory_space<semaphore_mem>>
      %dma_wait3A_199 = tpu.memref_squeeze %dma_wait3A_198 : memref<1x!tpu.dma_semaphore, #tpu.memory_space<semaphore_mem>> -> memref<!tpu.dma_semaphore, #tpu.memory_space<semaphore_mem>>
      %dma_wait3A_200 = arith.constant 0 : i32
      %dma_wait3A_201 = arith.constant 0 : i32
      %dma_wait3A_202 = tpu.memref_slice %arg12[%dma_wait3A_189, %dma_wait3A_200, %dma_wait3A_201] : memref<4x16x768xf32, #tpu.memory_space<vmem>> -> memref<1x16x768xf32, #tpu.memory_space<vmem>>
      %dma_wait3A_203 = tpu.memref_squeeze %dma_wait3A_202 : memref<1x16x768xf32, #tpu.memory_space<vmem>> -> memref<16x768xf32, #tpu.memory_space<vmem>>
      %dma_wait3A_204 = arith.constant 0 : i32
      %dma_wait3A_205 = arith.constant 0 : i32
      %dma_wait3A_206 = tpu.memref_slice %arg4[%dma_wait3A_204, %dma_wait3A_205] : memref<100000x768xf32, #tpu.memory_space<hbm>> -> memref<16x768xf32, #tpu.memory_space<hbm>>
      tpu.wait_dma2 semaphore(%dma_wait3A_199 : memref<!tpu.dma_semaphore, #tpu.memory_space<semaphore_mem>>) src(%dma_wait3A_206 : memref<16x768xf32, #tpu.memory_space<hbm>>) dst(%dma_wait3A_203 : memref<16x768xf32, #tpu.memory_space<vmem>>)
      %dma_wait3A_207 = arith.constant 1 : i32
      %dma_wait3A_208 = arith.constant 1 : i32
      %dma_wait3A_209 = arith.constant 0 : i32
      %dma_wait3A_210 = arith.constant 0 : i32
      %dma_wait3A_211 = tpu.memref_slice %arg13[%dma_wait3A_207, %dma_wait3A_209, %dma_wait3A_210] : memref<4x16x768xf32, #tpu.memory_space<vmem>> -> memref<1x16x768xf32, #tpu.memory_space<vmem>>
      %dma_wait3A_212 = tpu.memref_squeeze %dma_wait3A_211 : memref<1x16x768xf32, #tpu.memory_space<vmem>> -> memref<16x768xf32, #tpu.memory_space<vmem>>
      %dma_wait3A_213 = arith.constant 0 : i32
      %dma_wait3A_214 = arith.constant 0 : i32
      %dma_wait3A_215 = tpu.memref_slice %arg5[%dma_wait3A_213, %dma_wait3A_214] : memref<4096x768xf32, #tpu.memory_space<hbm>> -> memref<16x768xf32, #tpu.memory_space<hbm>>
      %dma_wait3A_216 = tpu.memref_slice %arg20[%dma_wait3A_208] : memref<4x!tpu.dma_semaphore, #tpu.memory_space<semaphore_mem>> -> memref<1x!tpu.dma_semaphore, #tpu.memory_space<semaphore_mem>>
      %dma_wait3A_217 = tpu.memref_squeeze %dma_wait3A_216 : memref<1x!tpu.dma_semaphore, #tpu.memory_space<semaphore_mem>> -> memref<!tpu.dma_semaphore, #tpu.memory_space<semaphore_mem>>
      %dma_wait3A_218 = arith.constant 0 : i32
      %dma_wait3A_219 = arith.constant 0 : i32
      %dma_wait3A_220 = tpu.memref_slice %arg13[%dma_wait3A_207, %dma_wait3A_218, %dma_wait3A_219] : memref<4x16x768xf32, #tpu.memory_space<vmem>> -> memref<1x16x768xf32, #tpu.memory_space<vmem>>
      %dma_wait3A_221 = tpu.memref_squeeze %dma_wait3A_220 : memref<1x16x768xf32, #tpu.memory_space<vmem>> -> memref<16x768xf32, #tpu.memory_space<vmem>>
      %dma_wait3A_222 = arith.constant 0 : i32
      %dma_wait3A_223 = arith.constant 0 : i32
      %dma_wait3A_224 = tpu.memref_slice %arg5[%dma_wait3A_222, %dma_wait3A_223] : memref<4096x768xf32, #tpu.memory_space<hbm>> -> memref<16x768xf32, #tpu.memory_space<hbm>>
      tpu.wait_dma2 semaphore(%dma_wait3A_217 : memref<!tpu.dma_semaphore, #tpu.memory_space<semaphore_mem>>) src(%dma_wait3A_224 : memref<16x768xf32, #tpu.memory_space<hbm>>) dst(%dma_wait3A_221 : memref<16x768xf32, #tpu.memory_space<vmem>>)
      %mul3A_225 = arith.constant 16 : i32
      %mul3A_226 = arith.muli %add3A_176, %mul3A_225 : i32
      %add3A_227 = arith.addi %mul3A_2, %mul3A_226 : i32
      %dma_start3A_228 = arith.constant 1 : i32
      %dma_start3A_229 = arith.constant 1 : i32
      %dma_start3A_230 = arith.constant 0 : i32
      %dma_start3A_231 = arith.constant 0 : i32
      %dma_start3A_232 = tpu.memref_slice %arg12[%dma_start3A_228, %dma_start3A_230, %dma_start3A_231] : memref<4x16x768xf32, #tpu.memory_space<vmem>> -> memref<1x16x768xf32, #tpu.memory_space<vmem>>
      %dma_start3A_233 = tpu.memref_squeeze %dma_start3A_232 : memref<1x16x768xf32, #tpu.memory_space<vmem>> -> memref<16x768xf32, #tpu.memory_space<vmem>>
      %dma_start3A_234 = arith.constant 0 : i32
      %dma_start3A_235 = tpu.memref_slice %arg9[%add3A_227, %dma_start3A_234] : memref<16384x768xf32, #tpu.memory_space<hbm>> -> memref<16x768xf32, #tpu.memory_space<hbm>>
      %dma_start3A_236 = tpu.memref_slice %arg21[%dma_start3A_229] : memref<4x!tpu.dma_semaphore, #tpu.memory_space<semaphore_mem>> -> memref<1x!tpu.dma_semaphore, #tpu.memory_space<semaphore_mem>>
      %dma_start3A_237 = tpu.memref_squeeze %dma_start3A_236 : memref<1x!tpu.dma_semaphore, #tpu.memory_space<semaphore_mem>> -> memref<!tpu.dma_semaphore, #tpu.memory_space<semaphore_mem>>
      %dma_start3A_238 = arith.constant 0 : i32
      %dma_start3A_239 = tpu.memref_slice %arg9[%add3A_227, %dma_start3A_238] : memref<16384x768xf32, #tpu.memory_space<hbm>> -> memref<16x768xf32, #tpu.memory_space<hbm>>
      %dma_start3A_240 = arith.constant 0 : i32
      %dma_start3A_241 = arith.constant 0 : i32
      %dma_start3A_242 = tpu.memref_slice %arg12[%dma_start3A_228, %dma_start3A_240, %dma_start3A_241] : memref<4x16x768xf32, #tpu.memory_space<vmem>> -> memref<1x16x768xf32, #tpu.memory_space<vmem>>
      %dma_start3A_243 = tpu.memref_squeeze %dma_start3A_242 : memref<1x16x768xf32, #tpu.memory_space<vmem>> -> memref<16x768xf32, #tpu.memory_space<vmem>>
      tpu.enqueue_dma source(%dma_start3A_243 : memref<16x768xf32, #tpu.memory_space<vmem>>) target(%dma_start3A_239 : memref<16x768xf32, #tpu.memory_space<hbm>>) target_semaphore(%dma_start3A_237 : memref<!tpu.dma_semaphore, #tpu.memory_space<semaphore_mem>>)
      %mul3A_244 = arith.constant 4 : i32
      %mul3A_245 = arith.muli %scan3A_105, %mul3A_244 : i32
      %add3A_246 = arith.constant 2 : i32
      %add3A_247 = arith.addi %mul3A_245, %add3A_246 : i32
      %ge3A_248 = arith.constant 2 : i32
      %ge3A_249 = arith.cmpi sge, %add3A_247, %ge3A_248 : i32
      %convert_element_type3A_250 = arith.extui %ge3A_249 : i1 to i32
      %cond3A_251 = arith.constant 0 : i32
      %cond3A_252 = arith.cmpi ne, %convert_element_type3A_250, %cond3A_251 : i32
      scf.if %cond3A_252 {
        %dma_wait3A_386 = arith.constant 0 : i32
        %dma_wait3A_387 = arith.constant 0 : i32
        %dma_wait3A_388 = arith.constant 0 : i32
        %dma_wait3A_389 = arith.constant 0 : i32
        %dma_wait3A_390 = tpu.memref_slice %arg12[%dma_wait3A_386, %dma_wait3A_388, %dma_wait3A_389] : memref<4x16x768xf32, #tpu.memory_space<vmem>> -> memref<1x16x768xf32, #tpu.memory_space<vmem>>
        %dma_wait3A_391 = tpu.memref_squeeze %dma_wait3A_390 : memref<1x16x768xf32, #tpu.memory_space<vmem>> -> memref<16x768xf32, #tpu.memory_space<vmem>>
        %dma_wait3A_392 = arith.constant 0 : i32
        %dma_wait3A_393 = arith.constant 0 : i32
        %dma_wait3A_394 = tpu.memref_slice %arg9[%dma_wait3A_392, %dma_wait3A_393] : memref<16384x768xf32, #tpu.memory_space<hbm>> -> memref<16x768xf32, #tpu.memory_space<hbm>>
        %dma_wait3A_395 = tpu.memref_slice %arg21[%dma_wait3A_387] : memref<4x!tpu.dma_semaphore, #tpu.memory_space<semaphore_mem>> -> memref<1x!tpu.dma_semaphore, #tpu.memory_space<semaphore_mem>>
        %dma_wait3A_396 = tpu.memref_squeeze %dma_wait3A_395 : memref<1x!tpu.dma_semaphore, #tpu.memory_space<semaphore_mem>> -> memref<!tpu.dma_semaphore, #tpu.memory_space<semaphore_mem>>
        %dma_wait3A_397 = arith.constant 0 : i32
        %dma_wait3A_398 = arith.constant 0 : i32
        %dma_wait3A_399 = tpu.memref_slice %arg9[%dma_wait3A_397, %dma_wait3A_398] : memref<16384x768xf32, #tpu.memory_space<hbm>> -> memref<16x768xf32, #tpu.memory_space<hbm>>
        %dma_wait3A_400 = arith.constant 0 : i32
        %dma_wait3A_401 = arith.constant 0 : i32
        %dma_wait3A_402 = tpu.memref_slice %arg12[%dma_wait3A_386, %dma_wait3A_400, %dma_wait3A_401] : memref<4x16x768xf32, #tpu.memory_space<vmem>> -> memref<1x16x768xf32, #tpu.memory_space<vmem>>
        %dma_wait3A_403 = tpu.memref_squeeze %dma_wait3A_402 : memref<1x16x768xf32, #tpu.memory_space<vmem>> -> memref<16x768xf32, #tpu.memory_space<vmem>>
        tpu.wait_dma2 semaphore(%dma_wait3A_396 : memref<!tpu.dma_semaphore, #tpu.memory_space<semaphore_mem>>) src(%dma_wait3A_403 : memref<16x768xf32, #tpu.memory_space<vmem>>) dst(%dma_wait3A_399 : memref<16x768xf32, #tpu.memory_space<hbm>>)
      } else {
      }
      %add3A_253 = arith.constant 2 : i32
      %add3A_254 = arith.addi %add3A_247, %add3A_253 : i32
      %lt3A_255 = arith.constant 32 : i32
      %lt3A_256 = arith.cmpi slt, %add3A_254, %lt3A_255 : i32
      %convert_element_type3A_257 = arith.extui %lt3A_256 : i1 to i32
      %cond3A_258 = arith.constant 0 : i32
      %cond3A_259 = arith.cmpi ne, %convert_element_type3A_257, %cond3A_258 : i32
      scf.if %cond3A_259 {
        %add3A_386 = arith.constant 2 : i32
        %add3A_387 = arith.addi %add3A_247, %add3A_386 : i32
        %mul3A_388 = arith.constant 16 : i32
        %mul3A_389 = arith.muli %add3A_387, %mul3A_388 : i32
        %dma_start3A_390 = arith.constant 0 : i32
        %dma_start3A_391 = arith.constant 0 : i32
        %dma_start3A_392 = arith.constant 0 : i32
        %dma_start3A_393 = arith.constant 0 : i32
        %dma_start3A_394 = tpu.memref_slice %arg12[%dma_start3A_390, %dma_start3A_392, %dma_start3A_393] : memref<4x16x768xf32, #tpu.memory_space<vmem>> -> memref<1x16x768xf32, #tpu.memory_space<vmem>>
        %dma_start3A_395 = tpu.memref_squeeze %dma_start3A_394 : memref<1x16x768xf32, #tpu.memory_space<vmem>> -> memref<16x768xf32, #tpu.memory_space<vmem>>
        %dma_start3A_396 = tpu.memref_slice %arg10[%mul3A_389] : memref<512xi32, #tpu.memory_space<vmem>> -> memref<16xi32, #tpu.memory_space<vmem>>
        %dma_start3A_397 = arith.constant 0 : i32
        %dma_start3A_398 = arith.constant 0 : i32
        %dma_start3A_399 = tpu.memref_slice %arg4[%dma_start3A_397, %dma_start3A_398] : memref<100000x768xf32, #tpu.memory_space<hbm>> -> memref<100000x768xf32, #tpu.memory_space<hbm>>
        %dma_start3A_400 = tpu.memref_slice %arg19[%dma_start3A_391] : memref<4x!tpu.dma_semaphore, #tpu.memory_space<semaphore_mem>> -> memref<1x!tpu.dma_semaphore, #tpu.memory_space<semaphore_mem>>
        %dma_start3A_401 = tpu.memref_squeeze %dma_start3A_400 : memref<1x!tpu.dma_semaphore, #tpu.memory_space<semaphore_mem>> -> memref<!tpu.dma_semaphore, #tpu.memory_space<semaphore_mem>>
        tpu.enqueue_indirect_dma source(%dma_start3A_399 : memref<100000x768xf32, #tpu.memory_space<hbm>>) target(%dma_start3A_395 : memref<16x768xf32, #tpu.memory_space<vmem>>) offsets(%dma_start3A_396 : memref<16xi32, #tpu.memory_space<vmem>>) semaphore(%dma_start3A_401 : memref<!tpu.dma_semaphore, #tpu.memory_space<semaphore_mem>>)
        %mul3A_402 = arith.constant 16 : i32
        %mul3A_403 = arith.muli %add3A_387, %mul3A_402 : i32
        %add3A_404 = arith.addi %rem3A_3, %mul3A_403 : i32
        %dma_start3A_405 = arith.constant 0 : i32
        %dma_start3A_406 = arith.constant 0 : i32
        %dma_start3A_407 = arith.constant 0 : i32
        %dma_start3A_408 = arith.constant 0 : i32
        %dma_start3A_409 = tpu.memref_slice %arg13[%dma_start3A_405, %dma_start3A_407, %dma_start3A_408] : memref<4x16x768xf32, #tpu.memory_space<vmem>> -> memref<1x16x768xf32, #tpu.memory_space<vmem>>
        %dma_start3A_410 = tpu.memref_squeeze %dma_start3A_409 : memref<1x16x768xf32, #tpu.memory_space<vmem>> -> memref<16x768xf32, #tpu.memory_space<vmem>>
        %dma_start3A_411 = arith.constant 0 : i32
        %dma_start3A_412 = tpu.memref_slice %arg5[%add3A_404, %dma_start3A_411] : memref<4096x768xf32, #tpu.memory_space<hbm>> -> memref<16x768xf32, #tpu.memory_space<hbm>>
        %dma_start3A_413 = tpu.memref_slice %arg20[%dma_start3A_406] : memref<4x!tpu.dma_semaphore, #tpu.memory_space<semaphore_mem>> -> memref<1x!tpu.dma_semaphore, #tpu.memory_space<semaphore_mem>>
        %dma_start3A_414 = tpu.memref_squeeze %dma_start3A_413 : memref<1x!tpu.dma_semaphore, #tpu.memory_space<semaphore_mem>> -> memref<!tpu.dma_semaphore, #tpu.memory_space<semaphore_mem>>
        %dma_start3A_415 = arith.constant 0 : i32
        %dma_start3A_416 = arith.constant 0 : i32
        %dma_start3A_417 = tpu.memref_slice %arg13[%dma_start3A_405, %dma_start3A_415, %dma_start3A_416] : memref<4x16x768xf32, #tpu.memory_space<vmem>> -> memref<1x16x768xf32, #tpu.memory_space<vmem>>
        %dma_start3A_418 = tpu.memref_squeeze %dma_start3A_417 : memref<1x16x768xf32, #tpu.memory_space<vmem>> -> memref<16x768xf32, #tpu.memory_space<vmem>>
        %dma_start3A_419 = arith.constant 0 : i32
        %dma_start3A_420 = tpu.memref_slice %arg5[%add3A_404, %dma_start3A_419] : memref<4096x768xf32, #tpu.memory_space<hbm>> -> memref<16x768xf32, #tpu.memory_space<hbm>>
        tpu.enqueue_dma source(%dma_start3A_420 : memref<16x768xf32, #tpu.memory_space<hbm>>) target(%dma_start3A_418 : memref<16x768xf32, #tpu.memory_space<vmem>>) target_semaphore(%dma_start3A_414 : memref<!tpu.dma_semaphore, #tpu.memory_space<semaphore_mem>>)
      } else {
      }
      %dma_wait3A_260 = arith.constant 2 : i32
      %dma_wait3A_261 = arith.constant 2 : i32
      %dma_wait3A_262 = arith.constant 0 : i32
      %dma_wait3A_263 = arith.constant 0 : i32
      %dma_wait3A_264 = tpu.memref_slice %arg12[%dma_wait3A_260, %dma_wait3A_262, %dma_wait3A_263] : memref<4x16x768xf32, #tpu.memory_space<vmem>> -> memref<1x16x768xf32, #tpu.memory_space<vmem>>
      %dma_wait3A_265 = tpu.memref_squeeze %dma_wait3A_264 : memref<1x16x768xf32, #tpu.memory_space<vmem>> -> memref<16x768xf32, #tpu.memory_space<vmem>>
      %dma_wait3A_266 = arith.constant 0 : i32
      %dma_wait3A_267 = arith.constant 0 : i32
      %dma_wait3A_268 = tpu.memref_slice %arg4[%dma_wait3A_266, %dma_wait3A_267] : memref<100000x768xf32, #tpu.memory_space<hbm>> -> memref<16x768xf32, #tpu.memory_space<hbm>>
      %dma_wait3A_269 = tpu.memref_slice %arg19[%dma_wait3A_261] : memref<4x!tpu.dma_semaphore, #tpu.memory_space<semaphore_mem>> -> memref<1x!tpu.dma_semaphore, #tpu.memory_space<semaphore_mem>>
      %dma_wait3A_270 = tpu.memref_squeeze %dma_wait3A_269 : memref<1x!tpu.dma_semaphore, #tpu.memory_space<semaphore_mem>> -> memref<!tpu.dma_semaphore, #tpu.memory_space<semaphore_mem>>
      %dma_wait3A_271 = arith.constant 0 : i32
      %dma_wait3A_272 = arith.constant 0 : i32
      %dma_wait3A_273 = tpu.memref_slice %arg12[%dma_wait3A_260, %dma_wait3A_271, %dma_wait3A_272] : memref<4x16x768xf32, #tpu.memory_space<vmem>> -> memref<1x16x768xf32, #tpu.memory_space<vmem>>
      %dma_wait3A_274 = tpu.memref_squeeze %dma_wait3A_273 : memref<1x16x768xf32, #tpu.memory_space<vmem>> -> memref<16x768xf32, #tpu.memory_space<vmem>>
      %dma_wait3A_275 = arith.constant 0 : i32
      %dma_wait3A_276 = arith.constant 0 : i32
      %dma_wait3A_277 = tpu.memref_slice %arg4[%dma_wait3A_275, %dma_wait3A_276] : memref<100000x768xf32, #tpu.memory_space<hbm>> -> memref<16x768xf32, #tpu.memory_space<hbm>>
      tpu.wait_dma2 semaphore(%dma_wait3A_270 : memref<!tpu.dma_semaphore, #tpu.memory_space<semaphore_mem>>) src(%dma_wait3A_277 : memref<16x768xf32, #tpu.memory_space<hbm>>) dst(%dma_wait3A_274 : memref<16x768xf32, #tpu.memory_space<vmem>>)
      %dma_wait3A_278 = arith.constant 2 : i32
      %dma_wait3A_279 = arith.constant 2 : i32
      %dma_wait3A_280 = arith.constant 0 : i32
      %dma_wait3A_281 = arith.constant 0 : i32
      %dma_wait3A_282 = tpu.memref_slice %arg13[%dma_wait3A_278, %dma_wait3A_280, %dma_wait3A_281] : memref<4x16x768xf32, #tpu.memory_space<vmem>> -> memref<1x16x768xf32, #tpu.memory_space<vmem>>
      %dma_wait3A_283 = tpu.memref_squeeze %dma_wait3A_282 : memref<1x16x768xf32, #tpu.memory_space<vmem>> -> memref<16x768xf32, #tpu.memory_space<vmem>>
      %dma_wait3A_284 = arith.constant 0 : i32
      %dma_wait3A_285 = arith.constant 0 : i32
      %dma_wait3A_286 = tpu.memref_slice %arg5[%dma_wait3A_284, %dma_wait3A_285] : memref<4096x768xf32, #tpu.memory_space<hbm>> -> memref<16x768xf32, #tpu.memory_space<hbm>>
      %dma_wait3A_287 = tpu.memref_slice %arg20[%dma_wait3A_279] : memref<4x!tpu.dma_semaphore, #tpu.memory_space<semaphore_mem>> -> memref<1x!tpu.dma_semaphore, #tpu.memory_space<semaphore_mem>>
      %dma_wait3A_288 = tpu.memref_squeeze %dma_wait3A_287 : memref<1x!tpu.dma_semaphore, #tpu.memory_space<semaphore_mem>> -> memref<!tpu.dma_semaphore, #tpu.memory_space<semaphore_mem>>
      %dma_wait3A_289 = arith.constant 0 : i32
      %dma_wait3A_290 = arith.constant 0 : i32
      %dma_wait3A_291 = tpu.memref_slice %arg13[%dma_wait3A_278, %dma_wait3A_289, %dma_wait3A_290] : memref<4x16x768xf32, #tpu.memory_space<vmem>> -> memref<1x16x768xf32, #tpu.memory_space<vmem>>
      %dma_wait3A_292 = tpu.memref_squeeze %dma_wait3A_291 : memref<1x16x768xf32, #tpu.memory_space<vmem>> -> memref<16x768xf32, #tpu.memory_space<vmem>>
      %dma_wait3A_293 = arith.constant 0 : i32
      %dma_wait3A_294 = arith.constant 0 : i32
      %dma_wait3A_295 = tpu.memref_slice %arg5[%dma_wait3A_293, %dma_wait3A_294] : memref<4096x768xf32, #tpu.memory_space<hbm>> -> memref<16x768xf32, #tpu.memory_space<hbm>>
      tpu.wait_dma2 semaphore(%dma_wait3A_288 : memref<!tpu.dma_semaphore, #tpu.memory_space<semaphore_mem>>) src(%dma_wait3A_295 : memref<16x768xf32, #tpu.memory_space<hbm>>) dst(%dma_wait3A_292 : memref<16x768xf32, #tpu.memory_space<vmem>>)
      %mul3A_296 = arith.constant 16 : i32
      %mul3A_297 = arith.muli %add3A_247, %mul3A_296 : i32
      %add3A_298 = arith.addi %mul3A_2, %mul3A_297 : i32
      %dma_start3A_299 = arith.constant 2 : i32
      %dma_start3A_300 = arith.constant 2 : i32
      %dma_start3A_301 = arith.constant 0 : i32
      %dma_start3A_302 = arith.constant 0 : i32
      %dma_start3A_303 = tpu.memref_slice %arg12[%dma_start3A_299, %dma_start3A_301, %dma_start3A_302] : memref<4x16x768xf32, #tpu.memory_space<vmem>> -> memref<1x16x768xf32, #tpu.memory_space<vmem>>
      %dma_start3A_304 = tpu.memref_squeeze %dma_start3A_303 : memref<1x16x768xf32, #tpu.memory_space<vmem>> -> memref<16x768xf32, #tpu.memory_space<vmem>>
      %dma_start3A_305 = arith.constant 0 : i32
      %dma_start3A_306 = tpu.memref_slice %arg9[%add3A_298, %dma_start3A_305] : memref<16384x768xf32, #tpu.memory_space<hbm>> -> memref<16x768xf32, #tpu.memory_space<hbm>>
      %dma_start3A_307 = tpu.memref_slice %arg21[%dma_start3A_300] : memref<4x!tpu.dma_semaphore, #tpu.memory_space<semaphore_mem>> -> memref<1x!tpu.dma_semaphore, #tpu.memory_space<semaphore_mem>>
      %dma_start3A_308 = tpu.memref_squeeze %dma_start3A_307 : memref<1x!tpu.dma_semaphore, #tpu.memory_space<semaphore_mem>> -> memref<!tpu.dma_semaphore, #tpu.memory_space<semaphore_mem>>
      %dma_start3A_309 = arith.constant 0 : i32
      %dma_start3A_310 = tpu.memref_slice %arg9[%add3A_298, %dma_start3A_309] : memref<16384x768xf32, #tpu.memory_space<hbm>> -> memref<16x768xf32, #tpu.memory_space<hbm>>
      %dma_start3A_311 = arith.constant 0 : i32
      %dma_start3A_312 = arith.constant 0 : i32
      %dma_start3A_313 = tpu.memref_slice %arg12[%dma_start3A_299, %dma_start3A_311, %dma_start3A_312] : memref<4x16x768xf32, #tpu.memory_space<vmem>> -> memref<1x16x768xf32, #tpu.memory_space<vmem>>
      %dma_start3A_314 = tpu.memref_squeeze %dma_start3A_313 : memref<1x16x768xf32, #tpu.memory_space<vmem>> -> memref<16x768xf32, #tpu.memory_space<vmem>>
      tpu.enqueue_dma source(%dma_start3A_314 : memref<16x768xf32, #tpu.memory_space<vmem>>) target(%dma_start3A_310 : memref<16x768xf32, #tpu.memory_space<hbm>>) target_semaphore(%dma_start3A_308 : memref<!tpu.dma_semaphore, #tpu.memory_space<semaphore_mem>>)
      %mul3A_315 = arith.constant 4 : i32
      %mul3A_316 = arith.muli %scan3A_105, %mul3A_315 : i32
      %add3A_317 = arith.constant 3 : i32
      %add3A_318 = arith.addi %mul3A_316, %add3A_317 : i32
      %ge3A_319 = arith.constant 2 : i32
      %ge3A_320 = arith.cmpi sge, %add3A_318, %ge3A_319 : i32
      %convert_element_type3A_321 = arith.extui %ge3A_320 : i1 to i32
      %cond3A_322 = arith.constant 0 : i32
      %cond3A_323 = arith.cmpi ne, %convert_element_type3A_321, %cond3A_322 : i32
      scf.if %cond3A_323 {
        %dma_wait3A_386 = arith.constant 1 : i32
        %dma_wait3A_387 = arith.constant 1 : i32
        %dma_wait3A_388 = arith.constant 0 : i32
        %dma_wait3A_389 = arith.constant 0 : i32
        %dma_wait3A_390 = tpu.memref_slice %arg12[%dma_wait3A_386, %dma_wait3A_388, %dma_wait3A_389] : memref<4x16x768xf32, #tpu.memory_space<vmem>> -> memref<1x16x768xf32, #tpu.memory_space<vmem>>
        %dma_wait3A_391 = tpu.memref_squeeze %dma_wait3A_390 : memref<1x16x768xf32, #tpu.memory_space<vmem>> -> memref<16x768xf32, #tpu.memory_space<vmem>>
        %dma_wait3A_392 = arith.constant 0 : i32
        %dma_wait3A_393 = arith.constant 0 : i32
        %dma_wait3A_394 = tpu.memref_slice %arg9[%dma_wait3A_392, %dma_wait3A_393] : memref<16384x768xf32, #tpu.memory_space<hbm>> -> memref<16x768xf32, #tpu.memory_space<hbm>>
        %dma_wait3A_395 = tpu.memref_slice %arg21[%dma_wait3A_387] : memref<4x!tpu.dma_semaphore, #tpu.memory_space<semaphore_mem>> -> memref<1x!tpu.dma_semaphore, #tpu.memory_space<semaphore_mem>>
        %dma_wait3A_396 = tpu.memref_squeeze %dma_wait3A_395 : memref<1x!tpu.dma_semaphore, #tpu.memory_space<semaphore_mem>> -> memref<!tpu.dma_semaphore, #tpu.memory_space<semaphore_mem>>
        %dma_wait3A_397 = arith.constant 0 : i32
        %dma_wait3A_398 = arith.constant 0 : i32
        %dma_wait3A_399 = tpu.memref_slice %arg9[%dma_wait3A_397, %dma_wait3A_398] : memref<16384x768xf32, #tpu.memory_space<hbm>> -> memref<16x768xf32, #tpu.memory_space<hbm>>
        %dma_wait3A_400 = arith.constant 0 : i32
        %dma_wait3A_401 = arith.constant 0 : i32
        %dma_wait3A_402 = tpu.memref_slice %arg12[%dma_wait3A_386, %dma_wait3A_400, %dma_wait3A_401] : memref<4x16x768xf32, #tpu.memory_space<vmem>> -> memref<1x16x768xf32, #tpu.memory_space<vmem>>
        %dma_wait3A_403 = tpu.memref_squeeze %dma_wait3A_402 : memref<1x16x768xf32, #tpu.memory_space<vmem>> -> memref<16x768xf32, #tpu.memory_space<vmem>>
        tpu.wait_dma2 semaphore(%dma_wait3A_396 : memref<!tpu.dma_semaphore, #tpu.memory_space<semaphore_mem>>) src(%dma_wait3A_403 : memref<16x768xf32, #tpu.memory_space<vmem>>) dst(%dma_wait3A_399 : memref<16x768xf32, #tpu.memory_space<hbm>>)
      } else {
      }
      %add3A_324 = arith.constant 2 : i32
      %add3A_325 = arith.addi %add3A_318, %add3A_324 : i32
      %lt3A_326 = arith.constant 32 : i32
      %lt3A_327 = arith.cmpi slt, %add3A_325, %lt3A_326 : i32
      %convert_element_type3A_328 = arith.extui %lt3A_327 : i1 to i32
      %cond3A_329 = arith.constant 0 : i32
      %cond3A_330 = arith.cmpi ne, %convert_element_type3A_328, %cond3A_329 : i32
      scf.if %cond3A_330 {
        %add3A_386 = arith.constant 2 : i32
        %add3A_387 = arith.addi %add3A_318, %add3A_386 : i32
        %mul3A_388 = arith.constant 16 : i32
        %mul3A_389 = arith.muli %add3A_387, %mul3A_388 : i32
        %dma_start3A_390 = arith.constant 1 : i32
        %dma_start3A_391 = arith.constant 1 : i32
        %dma_start3A_392 = arith.constant 0 : i32
        %dma_start3A_393 = arith.constant 0 : i32
        %dma_start3A_394 = tpu.memref_slice %arg12[%dma_start3A_390, %dma_start3A_392, %dma_start3A_393] : memref<4x16x768xf32, #tpu.memory_space<vmem>> -> memref<1x16x768xf32, #tpu.memory_space<vmem>>
        %dma_start3A_395 = tpu.memref_squeeze %dma_start3A_394 : memref<1x16x768xf32, #tpu.memory_space<vmem>> -> memref<16x768xf32, #tpu.memory_space<vmem>>
        %dma_start3A_396 = tpu.memref_slice %arg10[%mul3A_389] : memref<512xi32, #tpu.memory_space<vmem>> -> memref<16xi32, #tpu.memory_space<vmem>>
        %dma_start3A_397 = arith.constant 0 : i32
        %dma_start3A_398 = arith.constant 0 : i32
        %dma_start3A_399 = tpu.memref_slice %arg4[%dma_start3A_397, %dma_start3A_398] : memref<100000x768xf32, #tpu.memory_space<hbm>> -> memref<100000x768xf32, #tpu.memory_space<hbm>>
        %dma_start3A_400 = tpu.memref_slice %arg19[%dma_start3A_391] : memref<4x!tpu.dma_semaphore, #tpu.memory_space<semaphore_mem>> -> memref<1x!tpu.dma_semaphore, #tpu.memory_space<semaphore_mem>>
        %dma_start3A_401 = tpu.memref_squeeze %dma_start3A_400 : memref<1x!tpu.dma_semaphore, #tpu.memory_space<semaphore_mem>> -> memref<!tpu.dma_semaphore, #tpu.memory_space<semaphore_mem>>
        tpu.enqueue_indirect_dma source(%dma_start3A_399 : memref<100000x768xf32, #tpu.memory_space<hbm>>) target(%dma_start3A_395 : memref<16x768xf32, #tpu.memory_space<vmem>>) offsets(%dma_start3A_396 : memref<16xi32, #tpu.memory_space<vmem>>) semaphore(%dma_start3A_401 : memref<!tpu.dma_semaphore, #tpu.memory_space<semaphore_mem>>)
        %mul3A_402 = arith.constant 16 : i32
        %mul3A_403 = arith.muli %add3A_387, %mul3A_402 : i32
        %add3A_404 = arith.addi %rem3A_3, %mul3A_403 : i32
        %dma_start3A_405 = arith.constant 1 : i32
        %dma_start3A_406 = arith.constant 1 : i32
        %dma_start3A_407 = arith.constant 0 : i32
        %dma_start3A_408 = arith.constant 0 : i32
        %dma_start3A_409 = tpu.memref_slice %arg13[%dma_start3A_405, %dma_start3A_407, %dma_start3A_408] : memref<4x16x768xf32, #tpu.memory_space<vmem>> -> memref<1x16x768xf32, #tpu.memory_space<vmem>>
        %dma_start3A_410 = tpu.memref_squeeze %dma_start3A_409 : memref<1x16x768xf32, #tpu.memory_space<vmem>> -> memref<16x768xf32, #tpu.memory_space<vmem>>
        %dma_start3A_411 = arith.constant 0 : i32
        %dma_start3A_412 = tpu.memref_slice %arg5[%add3A_404, %dma_start3A_411] : memref<4096x768xf32, #tpu.memory_space<hbm>> -> memref<16x768xf32, #tpu.memory_space<hbm>>
        %dma_start3A_413 = tpu.memref_slice %arg20[%dma_start3A_406] : memref<4x!tpu.dma_semaphore, #tpu.memory_space<semaphore_mem>> -> memref<1x!tpu.dma_semaphore, #tpu.memory_space<semaphore_mem>>
        %dma_start3A_414 = tpu.memref_squeeze %dma_start3A_413 : memref<1x!tpu.dma_semaphore, #tpu.memory_space<semaphore_mem>> -> memref<!tpu.dma_semaphore, #tpu.memory_space<semaphore_mem>>
        %dma_start3A_415 = arith.constant 0 : i32
        %dma_start3A_416 = arith.constant 0 : i32
        %dma_start3A_417 = tpu.memref_slice %arg13[%dma_start3A_405, %dma_start3A_415, %dma_start3A_416] : memref<4x16x768xf32, #tpu.memory_space<vmem>> -> memref<1x16x768xf32, #tpu.memory_space<vmem>>
        %dma_start3A_418 = tpu.memref_squeeze %dma_start3A_417 : memref<1x16x768xf32, #tpu.memory_space<vmem>> -> memref<16x768xf32, #tpu.memory_space<vmem>>
        %dma_start3A_419 = arith.constant 0 : i32
        %dma_start3A_420 = tpu.memref_slice %arg5[%add3A_404, %dma_start3A_419] : memref<4096x768xf32, #tpu.memory_space<hbm>> -> memref<16x768xf32, #tpu.memory_space<hbm>>
        tpu.enqueue_dma source(%dma_start3A_420 : memref<16x768xf32, #tpu.memory_space<hbm>>) target(%dma_start3A_418 : memref<16x768xf32, #tpu.memory_space<vmem>>) target_semaphore(%dma_start3A_414 : memref<!tpu.dma_semaphore, #tpu.memory_space<semaphore_mem>>)
      } else {
      }
      %dma_wait3A_331 = arith.constant 3 : i32
      %dma_wait3A_332 = arith.constant 3 : i32
      %dma_wait3A_333 = arith.constant 0 : i32
      %dma_wait3A_334 = arith.constant 0 : i32
      %dma_wait3A_335 = tpu.memref_slice %arg12[%dma_wait3A_331, %dma_wait3A_333, %dma_wait3A_334] : memref<4x16x768xf32, #tpu.memory_space<vmem>> -> memref<1x16x768xf32, #tpu.memory_space<vmem>>
      %dma_wait3A_336 = tpu.memref_squeeze %dma_wait3A_335 : memref<1x16x768xf32, #tpu.memory_space<vmem>> -> memref<16x768xf32, #tpu.memory_space<vmem>>
      %dma_wait3A_337 = arith.constant 0 : i32
      %dma_wait3A_338 = arith.constant 0 : i32
      %dma_wait3A_339 = tpu.memref_slice %arg4[%dma_wait3A_337, %dma_wait3A_338] : memref<100000x768xf32, #tpu.memory_space<hbm>> -> memref<16x768xf32, #tpu.memory_space<hbm>>
      %dma_wait3A_340 = tpu.memref_slice %arg19[%dma_wait3A_332] : memref<4x!tpu.dma_semaphore, #tpu.memory_space<semaphore_mem>> -> memref<1x!tpu.dma_semaphore, #tpu.memory_space<semaphore_mem>>
      %dma_wait3A_341 = tpu.memref_squeeze %dma_wait3A_340 : memref<1x!tpu.dma_semaphore, #tpu.memory_space<semaphore_mem>> -> memref<!tpu.dma_semaphore, #tpu.memory_space<semaphore_mem>>
      %dma_wait3A_342 = arith.constant 0 : i32
      %dma_wait3A_343 = arith.constant 0 : i32
      %dma_wait3A_344 = tpu.memref_slice %arg12[%dma_wait3A_331, %dma_wait3A_342, %dma_wait3A_343] : memref<4x16x768xf32, #tpu.memory_space<vmem>> -> memref<1x16x768xf32, #tpu.memory_space<vmem>>
      %dma_wait3A_345 = tpu.memref_squeeze %dma_wait3A_344 : memref<1x16x768xf32, #tpu.memory_space<vmem>> -> memref<16x768xf32, #tpu.memory_space<vmem>>
      %dma_wait3A_346 = arith.constant 0 : i32
      %dma_wait3A_347 = arith.constant 0 : i32
      %dma_wait3A_348 = tpu.memref_slice %arg4[%dma_wait3A_346, %dma_wait3A_347] : memref<100000x768xf32, #tpu.memory_space<hbm>> -> memref<16x768xf32, #tpu.memory_space<hbm>>
      tpu.wait_dma2 semaphore(%dma_wait3A_341 : memref<!tpu.dma_semaphore, #tpu.memory_space<semaphore_mem>>) src(%dma_wait3A_348 : memref<16x768xf32, #tpu.memory_space<hbm>>) dst(%dma_wait3A_345 : memref<16x768xf32, #tpu.memory_space<vmem>>)
      %dma_wait3A_349 = arith.constant 3 : i32
      %dma_wait3A_350 = arith.constant 3 : i32
      %dma_wait3A_351 = arith.constant 0 : i32
      %dma_wait3A_352 = arith.constant 0 : i32
      %dma_wait3A_353 = tpu.memref_slice %arg13[%dma_wait3A_349, %dma_wait3A_351, %dma_wait3A_352] : memref<4x16x768xf32, #tpu.memory_space<vmem>> -> memref<1x16x768xf32, #tpu.memory_space<vmem>>
      %dma_wait3A_354 = tpu.memref_squeeze %dma_wait3A_353 : memref<1x16x768xf32, #tpu.memory_space<vmem>> -> memref<16x768xf32, #tpu.memory_space<vmem>>
      %dma_wait3A_355 = arith.constant 0 : i32
      %dma_wait3A_356 = arith.constant 0 : i32
      %dma_wait3A_357 = tpu.memref_slice %arg5[%dma_wait3A_355, %dma_wait3A_356] : memref<4096x768xf32, #tpu.memory_space<hbm>> -> memref<16x768xf32, #tpu.memory_space<hbm>>
      %dma_wait3A_358 = tpu.memref_slice %arg20[%dma_wait3A_350] : memref<4x!tpu.dma_semaphore, #tpu.memory_space<semaphore_mem>> -> memref<1x!tpu.dma_semaphore, #tpu.memory_space<semaphore_mem>>
      %dma_wait3A_359 = tpu.memref_squeeze %dma_wait3A_358 : memref<1x!tpu.dma_semaphore, #tpu.memory_space<semaphore_mem>> -> memref<!tpu.dma_semaphore, #tpu.memory_space<semaphore_mem>>
      %dma_wait3A_360 = arith.constant 0 : i32
      %dma_wait3A_361 = arith.constant 0 : i32
      %dma_wait3A_362 = tpu.memref_slice %arg13[%dma_wait3A_349, %dma_wait3A_360, %dma_wait3A_361] : memref<4x16x768xf32, #tpu.memory_space<vmem>> -> memref<1x16x768xf32, #tpu.memory_space<vmem>>
      %dma_wait3A_363 = tpu.memref_squeeze %dma_wait3A_362 : memref<1x16x768xf32, #tpu.memory_space<vmem>> -> memref<16x768xf32, #tpu.memory_space<vmem>>
      %dma_wait3A_364 = arith.constant 0 : i32
      %dma_wait3A_365 = arith.constant 0 : i32
      %dma_wait3A_366 = tpu.memref_slice %arg5[%dma_wait3A_364, %dma_wait3A_365] : memref<4096x768xf32, #tpu.memory_space<hbm>> -> memref<16x768xf32, #tpu.memory_space<hbm>>
      tpu.wait_dma2 semaphore(%dma_wait3A_359 : memref<!tpu.dma_semaphore, #tpu.memory_space<semaphore_mem>>) src(%dma_wait3A_366 : memref<16x768xf32, #tpu.memory_space<hbm>>) dst(%dma_wait3A_363 : memref<16x768xf32, #tpu.memory_space<vmem>>)
      %mul3A_367 = arith.constant 16 : i32
      %mul3A_368 = arith.muli %add3A_318, %mul3A_367 : i32
      %add3A_369 = arith.addi %mul3A_2, %mul3A_368 : i32
      %dma_start3A_370 = arith.constant 3 : i32
      %dma_start3A_371 = arith.constant 3 : i32
      %dma_start3A_372 = arith.constant 0 : i32
      %dma_start3A_373 = arith.constant 0 : i32
      %dma_start3A_374 = tpu.memref_slice %arg12[%dma_start3A_370, %dma_start3A_372, %dma_start3A_373] : memref<4x16x768xf32, #tpu.memory_space<vmem>> -> memref<1x16x768xf32, #tpu.memory_space<vmem>>
      %dma_start3A_375 = tpu.memref_squeeze %dma_start3A_374 : memref<1x16x768xf32, #tpu.memory_space<vmem>> -> memref<16x768xf32, #tpu.memory_space<vmem>>
      %dma_start3A_376 = arith.constant 0 : i32
      %dma_start3A_377 = tpu.memref_slice %arg9[%add3A_369, %dma_start3A_376] : memref<16384x768xf32, #tpu.memory_space<hbm>> -> memref<16x768xf32, #tpu.memory_space<hbm>>
      %dma_start3A_378 = tpu.memref_slice %arg21[%dma_start3A_371] : memref<4x!tpu.dma_semaphore, #tpu.memory_space<semaphore_mem>> -> memref<1x!tpu.dma_semaphore, #tpu.memory_space<semaphore_mem>>
      %dma_start3A_379 = tpu.memref_squeeze %dma_start3A_378 : memref<1x!tpu.dma_semaphore, #tpu.memory_space<semaphore_mem>> -> memref<!tpu.dma_semaphore, #tpu.memory_space<semaphore_mem>>
      %dma_start3A_380 = arith.constant 0 : i32
      %dma_start3A_381 = tpu.memref_slice %arg9[%add3A_369, %dma_start3A_380] : memref<16384x768xf32, #tpu.memory_space<hbm>> -> memref<16x768xf32, #tpu.memory_space<hbm>>
      %dma_start3A_382 = arith.constant 0 : i32
      %dma_start3A_383 = arith.constant 0 : i32
      %dma_start3A_384 = tpu.memref_slice %arg12[%dma_start3A_370, %dma_start3A_382, %dma_start3A_383] : memref<4x16x768xf32, #tpu.memory_space<vmem>> -> memref<1x16x768xf32, #tpu.memory_space<vmem>>
      %dma_start3A_385 = tpu.memref_squeeze %dma_start3A_384 : memref<1x16x768xf32, #tpu.memory_space<vmem>> -> memref<16x768xf32, #tpu.memory_space<vmem>>
      tpu.enqueue_dma source(%dma_start3A_385 : memref<16x768xf32, #tpu.memory_space<vmem>>) target(%dma_start3A_381 : memref<16x768xf32, #tpu.memory_space<hbm>>) target_semaphore(%dma_start3A_379 : memref<!tpu.dma_semaphore, #tpu.memory_space<semaphore_mem>>)
    }
    %scan3A_69 = arith.constant 8 : i32
    %dma_wait3A = arith.constant 2 : i32
    %dma_wait3A_70 = arith.constant 2 : i32
    %dma_wait3A_71 = arith.constant 0 : i32
    %dma_wait3A_72 = arith.constant 0 : i32
    %dma_wait3A_73 = tpu.memref_slice %arg12[%dma_wait3A, %dma_wait3A_71, %dma_wait3A_72] : memref<4x16x768xf32, #tpu.memory_space<vmem>> -> memref<1x16x768xf32, #tpu.memory_space<vmem>>
    %dma_wait3A_74 = tpu.memref_squeeze %dma_wait3A_73 : memref<1x16x768xf32, #tpu.memory_space<vmem>> -> memref<16x768xf32, #tpu.memory_space<vmem>>
    %dma_wait3A_75 = arith.constant 0 : i32
    %dma_wait3A_76 = arith.constant 0 : i32
    %dma_wait3A_77 = tpu.memref_slice %arg9[%dma_wait3A_75, %dma_wait3A_76] : memref<16384x768xf32, #tpu.memory_space<hbm>> -> memref<16x768xf32, #tpu.memory_space<hbm>>
    %dma_wait3A_78 = tpu.memref_slice %arg21[%dma_wait3A_70] : memref<4x!tpu.dma_semaphore, #tpu.memory_space<semaphore_mem>> -> memref<1x!tpu.dma_semaphore, #tpu.memory_space<semaphore_mem>>
    %dma_wait3A_79 = tpu.memref_squeeze %dma_wait3A_78 : memref<1x!tpu.dma_semaphore, #tpu.memory_space<semaphore_mem>> -> memref<!tpu.dma_semaphore, #tpu.memory_space<semaphore_mem>>
    %dma_wait3A_80 = arith.constant 0 : i32
    %dma_wait3A_81 = arith.constant 0 : i32
    %dma_wait3A_82 = tpu.memref_slice %arg9[%dma_wait3A_80, %dma_wait3A_81] : memref<16384x768xf32, #tpu.memory_space<hbm>> -> memref<16x768xf32, #tpu.memory_space<hbm>>
    %dma_wait3A_83 = arith.constant 0 : i32
    %dma_wait3A_84 = arith.constant 0 : i32
    %dma_wait3A_85 = tpu.memref_slice %arg12[%dma_wait3A, %dma_wait3A_83, %dma_wait3A_84] : memref<4x16x768xf32, #tpu.memory_space<vmem>> -> memref<1x16x768xf32, #tpu.memory_space<vmem>>
    %dma_wait3A_86 = tpu.memref_squeeze %dma_wait3A_85 : memref<1x16x768xf32, #tpu.memory_space<vmem>> -> memref<16x768xf32, #tpu.memory_space<vmem>>
    tpu.wait_dma2 semaphore(%dma_wait3A_79 : memref<!tpu.dma_semaphore, #tpu.memory_space<semaphore_mem>>) src(%dma_wait3A_86 : memref<16x768xf32, #tpu.memory_space<vmem>>) dst(%dma_wait3A_82 : memref<16x768xf32, #tpu.memory_space<hbm>>)
    %dma_wait3A_87 = arith.constant 3 : i32
    %dma_wait3A_88 = arith.constant 3 : i32
    %dma_wait3A_89 = arith.constant 0 : i32
    %dma_wait3A_90 = arith.constant 0 : i32
    %dma_wait3A_91 = tpu.memref_slice %arg12[%dma_wait3A_87, %dma_wait3A_89, %dma_wait3A_90] : memref<4x16x768xf32, #tpu.memory_space<vmem>> -> memref<1x16x768xf32, #tpu.memory_space<vmem>>
    %dma_wait3A_92 = tpu.memref_squeeze %dma_wait3A_91 : memref<1x16x768xf32, #tpu.memory_space<vmem>> -> memref<16x768xf32, #tpu.memory_space<vmem>>
    %dma_wait3A_93 = arith.constant 0 : i32
    %dma_wait3A_94 = arith.constant 0 : i32
    %dma_wait3A_95 = tpu.memref_slice %arg9[%dma_wait3A_93, %dma_wait3A_94] : memref<16384x768xf32, #tpu.memory_space<hbm>> -> memref<16x768xf32, #tpu.memory_space<hbm>>
    %dma_wait3A_96 = tpu.memref_slice %arg21[%dma_wait3A_88] : memref<4x!tpu.dma_semaphore, #tpu.memory_space<semaphore_mem>> -> memref<1x!tpu.dma_semaphore, #tpu.memory_space<semaphore_mem>>
    %dma_wait3A_97 = tpu.memref_squeeze %dma_wait3A_96 : memref<1x!tpu.dma_semaphore, #tpu.memory_space<semaphore_mem>> -> memref<!tpu.dma_semaphore, #tpu.memory_space<semaphore_mem>>
    %dma_wait3A_98 = arith.constant 0 : i32
    %dma_wait3A_99 = arith.constant 0 : i32
    %dma_wait3A_100 = tpu.memref_slice %arg9[%dma_wait3A_98, %dma_wait3A_99] : memref<16384x768xf32, #tpu.memory_space<hbm>> -> memref<16x768xf32, #tpu.memory_space<hbm>>
    %dma_wait3A_101 = arith.constant 0 : i32
    %dma_wait3A_102 = arith.constant 0 : i32
    %dma_wait3A_103 = tpu.memref_slice %arg12[%dma_wait3A_87, %dma_wait3A_101, %dma_wait3A_102] : memref<4x16x768xf32, #tpu.memory_space<vmem>> -> memref<1x16x768xf32, #tpu.memory_space<vmem>>
    %dma_wait3A_104 = tpu.memref_squeeze %dma_wait3A_103 : memref<1x16x768xf32, #tpu.memory_space<vmem>> -> memref<16x768xf32, #tpu.memory_space<vmem>>
    tpu.wait_dma2 semaphore(%dma_wait3A_97 : memref<!tpu.dma_semaphore, #tpu.memory_space<semaphore_mem>>) src(%dma_wait3A_104 : memref<16x768xf32, #tpu.memory_space<vmem>>) dst(%dma_wait3A_100 : memref<16x768xf32, #tpu.memory_space<hbm>>)
    return
  }
}

</mosaic_0001>

<sc_bundles>
// kernel: _sc_embed.3.cloned.1.call-start
scs
__scs_entry_jumppad:
0x0: {  	(pc) =	sbr.rel $0x88, $3  }
0x1: {  	(tag) =	ssettag $0x0;
	lr =	simm.s32 $0x1  }
0x2: {  	[smem:$0x3F9A] =	sst lr;
	_ =	strace $0xD0000000  }
0x3: {  	_ = 	snop  }
0x4: {  	_ = 	snop  }
0x5: {  	_ = 	snop  }
0x6: {  	_ = 	snop  }
0x7: {  	_ = 	snop  }
__scs_overlays_trampoline_lowered:
0x8: {  	[smem:$0x3FA9] =	sst s0  }
0x9: {  	[smem:$0x3FAA] =	sst s1  }
0xa: {  	[smem:$0x3FAB] =	sst s2  }
0xb: {  	[smem:$0x3FAC] =	sst s3  }
0xc: {  	[smem:$0x3FAD] =	sst s4  }
0xd: {  	[smem:$0x3FAE] =	sst s5  }
0xe: {  	[smem:$0x3FAF] =	sst s6  }
0xf: {  	[smem:$0x3FB0] =	sst s7  }
0x10: {  	[smem:$0x3FB1] =	sst s8  }
0x11: {  	[smem:$0x3FB2] =	sst s9;
	s0 =	simm.s32 @!p0 $0x0  }
0x12: {  	s1 =	sld [smem:$0x3F98];
	s0 =	simm.s32 @p0 $0x1  }
0x13: {  	[smem:$0x3FB3] =	sst s0;
	s0 =	simm.s32 @!p1 $0x0  }
0x14: {  	s2 =	sld [smem:$0x3F97];
	s0 =	simm.s32 @p1 $0x1  }
0x15: {  	[smem:$0x3FB4] =	sst s0;
	s0 =	simm.s32 @!p2 $0x0  }
0x16: {  	s3 =	sld [smem:$0x3FDB];
	s0 =	simm.s32 @p2 $0x1  }
0x17: {  	s4 =	simm.s32 $0x1BF5;
	[smem:$0x3FB6] =	sst s0  }
0x18: {  	s0 =	sld [smem:$0x3F99];
	_ =	swait.ge [sflag:s4], $0x0  }
0x19: {  	s7 =	sld [smem:$0x3F9A]  }
0x1a: {  	s8 =	sadd.s32 $0xFFFFE003, lr  }
0x1b: {  	s9 =	sadd.s32 $0xFFFFFEF7, lr;
	s5 =	simm.s32 $0xFFFFFFFF;
	p2 =	slt.u32 s8, $0xFFFFF086  }
0x1c: {  	p1 =	slt.u32 s9, $0xF7A;
	s5 =	simm.s32 @!p2 $0x0  }
0x1d: {  	s5 =	simm.s32 @p1 $0x1;
	p0 =	seq.s32 s7, s2  }
0x1e: {  	s7 =	smul.u32 @!p0 $0xF7A, s2;
	p2 =	seq.s32 @!p0 s5, $0x0  }
0x1f: {  	s9 =	smul.u32 $0xF7A, s1;
	s8 =	simm.s32 @!p0 $0x1BF5;
	p2 =	por !p2, p0  }
0x20: {  	[sflag:s8] =	ssyncset.s32 @!p0 $0xFFFFF086;
	s6 =	sadd.s32 @!p0 s3, s7;
	s7 =	simm.s32 @!p0 $0x108  }
0x21: {  	s3 =	sadd.s32 s3, s9;
	s6 =	sadd.s32 @!p0 $0x88, s6;
	s7 =	simm.s32 @p2 $0x1082  }
0x22: {  	[simem:s7], [sflag:s8] =	dma.local @!p0 [hbm:s6], $0xF7A  }
0x23: {  	s9 =	sor.u32 $0xD0000000, s2;
	s6 =	simm.s32 $0x108;
	_ =	swait.ge @!p0 [sflag:s8], $0x0  }
0x24: {  	s3 =	sadd.s32 $0x88, s3;
	s6 =	simm.s32 @!p1 $0x1082;
	[sflag:s4] =	ssyncset.s32 $0xFFFFF086  }
0x25: {  	[simem:s6], [sflag:s4] =	dma.local [hbm:s3], $0xF7A  }
0x26: {  	[smem:$0x3F9A] =	sst s1;
	(tag) =	ssettag s2;
	_ =	strace s9  }
0x27: {  	s1 =	sld [smem:$0x3FAA]  }
0x28: {  	s2 =	sld [smem:$0x3FAB]  }
0x29: {  	s4 =	sld [smem:$0x3FAD]  }
0x2a: {  	p0 =	seq.s32 s5, $0x0;
	s5 =	sld [smem:$0x3FAE]  }
0x2b: {  	s6 =	sld [smem:$0x3FAF]  }
0x2c: {  	s7 =	sld [smem:$0x3FB0]  }
0x2d: {  	s3 =	simm.s32 $0x108;
	s8 =	sld [smem:$0x3FB1]  }
0x2e: {  	s3 =	simm.s32 @!p0 $0x1082;
	s9 =	sld [smem:$0x3FB2]  }
0x2f: {  	lr =	sadd.s32 s0, s3;
	s0 =	sld [smem:$0x3FA9]  }
0x30: {  	s3 =	sld [smem:$0x3FAC]  }
0x31: {  	[smem:$0x3FB5] =	sst s10  }
0x32: {  	s10 =	sld [smem:$0x3FB3];
	_ =	sdelay $0x3  }
0x33: {  	p0 =	seq.s32 s10, $0x1;
	s10 =	sld [smem:$0x3FB5];
	_ =	sdelay $0x3  }
0x34: {  	[smem:$0x3FB5] =	sst s10  }
0x35: {  	s10 =	sld [smem:$0x3FB4];
	_ =	sdelay $0x3  }
0x36: {  	p1 =	seq.s32 s10, $0x1;
	s10 =	sld [smem:$0x3FB5];
	_ =	sdelay $0x3  }
0x37: {  	[smem:$0x3FB5] =	sst s10  }
0x38: {  	s10 =	sld [smem:$0x3FB6]  }
0x39: {  	_ = 	snop;
	(pc) =	sbr.ind lr, $3  }
0x3a: {  	_ = 	snop  }
0x3b: {  	_ = 	snop  }
0x3c: {  	p2 =	seq.s32 s10, $0x1;
	s10 =	sld [smem:$0x3FB5]  }
0x3d: {  	_ =	shalt  }
0x3e: {  	_ =	shalt  }
0x3f: {  	_ =	shalt  }
0x40: {  	_ =	shalt  }
0x41: {  	_ =	shalt  }
0x42: {  	_ =	shalt  }
0x43: {  	_ =	shalt  }
0x44: {  	_ =	shalt  }
0x45: {  	_ =	shalt  }
0x46: {  	_ =	shalt  }
0x47: {  	_ =	shalt  }
0x48: {  	_ =	shalt  }
0x49: {  	_ =	shalt  }
0x4a: {  	_ =	shalt  }
0x4b: {  	_ =	shalt  }
0x4c: {  	_ =	shalt  }
0x4d: {  	_ =	shalt  }
0x4e: {  	_ =	shalt  }
0x4f: {  	_ =	shalt  }
0x50: {  	_ =	shalt  }
0x51: {  	_ =	shalt  }
0x52: {  	_ =	shalt  }
0x53: {  	_ =	shalt  }
0x54: {  	_ =	shalt  }
0x55: {  	_ =	shalt  }
0x56: {  	_ =	shalt  }
0x57: {  	_ =	shalt  }
0x58: {  	_ =	shalt  }
0x59: {  	_ =	shalt  }
0x5a: {  	_ =	shalt  }
0x5b: {  	_ =	shalt  }
0x5c: {  	_ =	shalt  }
0x5d: {  	_ =	shalt  }
0x5e: {  	_ =	shalt  }
0x5f: {  	_ =	shalt  }
0x60: {  	_ =	shalt  }
0x61: {  	_ =	shalt  }
0x62: {  	_ =	shalt  }
0x63: {  	_ =	shalt  }
0x64: {  	_ =	shalt  }
0x65: {  	_ =	shalt  }
0x66: {  	_ =	shalt  }
0x67: {  	_ =	shalt  }
0x68: {  	_ =	shalt  }
0x69: {  	_ =	shalt  }
0x6a: {  	_ =	shalt  }
0x6b: {  	_ =	shalt  }
0x6c: {  	_ =	shalt  }
0x6d: {  	_ =	shalt  }
0x6e: {  	_ =	shalt  }
0x6f: {  	_ =	shalt  }
0x70: {  	_ =	shalt  }
0x71: {  	_ =	shalt  }
0x72: {  	_ =	shalt  }
0x73: {  	_ =	shalt  }
0x74: {  	_ =	shalt  }
0x75: {  	_ =	shalt  }
0x76: {  	_ =	shalt  }
0x77: {  	_ =	shalt  }
0x78: {  	_ =	shalt  }
0x79: {  	_ =	shalt  }
0x7a: {  	_ =	shalt  }
0x7b: {  	_ =	shalt  }
0x7c: {  	_ =	shalt  }
0x7d: {  	_ =	shalt  }
0x7e: {  	_ =	shalt  }
0x7f: {  	_ =	shalt  }
0x80: {  	_ =	shalt  }
0x81: {  	_ =	shalt  }
0x82: {  	_ =	shalt  }
0x83: {  	_ =	shalt  }
0x84: {  	_ =	shalt  }
0x85: {  	_ =	shalt  }
0x86: {  	_ =	shalt  }
0x87: {  	_ =	shalt  }
.Lfunc_end0:
.L_simem_size_0:
called_computation_lowered:
.L_overlay_start_0:
0x88: {  	s2 =	sld [smem:$0x3FD9]  }
0x89: {  	s3 =	sld [smem:$0x3FFE];
	_ =	sdelay $0x1  }
0x8a: {  	s1 =	srdreg.scid  }
0x8b: {  	s0 =	sand.u32 $0x1, s1  }
0x8c: {  	s18 =	sshll.u32 s0, $0xA;
	s2 =	sadd.s32 s3, s2  }
0x8d: {  	s2 =	sadd.s32 s2, s18  }
0x8e: {  	[smem:$0x3FC1] =	sst s2  }
0x8f: {  	_ = 	snop  }
0x90: {  	s2 =	sld [smem:$0x3FC9]  }
0x91: {  	s19 =	sld [smem:$0x3FC8]  }
0x92: {  	s4 =	sld [smem:$0x3FC7]  }
0x93: {  	s5 =	sld [smem:$0x3FC6]  }
0x94: {  	s6 =	sld [smem:$0x3FC5]  }
0x95: {  	s7 =	sld [smem:$0x3FD0];
	(tm) =	ssettm $0x1  }
0x96: {  	s8 =	sld [smem:$0x3FFB];
	_ =	sdelay $0x3  }
0x97: {  	_ =	strace s8  }
0x98: {  	s8 =	sld [smem:$0x3FFC];
	_ =	sdelay $0x3  }
0x99: {  	_ =	strace s8  }
0x9a: {  	s8 =	sld [smem:$0x3FFD];
	_ =	sdelay $0x3  }
0x9b: {  	_ =	strace s8  }
0x9c: {  	_ =	strace $0x8FFFFFFF  }
0x9d: {  	s20 =	sld [smem:$0x3FDB];
	_ =	sdelay $0x1  }
0x9e: {  	s9 =	simm.s32 $_scs_section_size  }
0x9f: {  	s10 =	simm.s32 $_size__tile_overlayer_lowered;
	s11 =	simm.s32 $_tile_overlayer_lowered  }
0xa0: {  	s23 =	simm.s32 $0x1BFF;
	s22 =	sshll.u32 s11, $0x1;
	s8 =	sadd.s32 s9, s20  }
0xa1: {  	s12 =	simm.s32 $0x0;
	s21 =	sshll.u32 s10, $0x1;
	s10 =	sadd.s32 s22, s8  }
0xa2: {  	[timem:s12], [sflag:s23] =	dma.local [hbm:s10], s21  }
0xa3: {  	_ =	swait.ge [sflag:s23], s21  }
0xa4: {  	s9 =	ssub.s32 $0x0, s21;
	[sflag:s23] =	ssyncset.done $0x0  }
0xa5: {  	[sflag:s23] =	ssyncadd.s32 s9;
	_ =	sdelay $0x1  }
0xa6: {  	s24 =	simm.s32 $0x1B8B  }
0xa7: {  	_ =	swait.ge [sflag:s24], $0x1  }
0xa8: {  	[sflag:s24] =	ssyncset.done $0x0  }
0xa9: {  	s25 =	simm.s32 $0x1B8E;
	[sflag:s24] =	ssyncadd.s32 $0xFFFFFFFF  }
0xaa: {  	s26 =	simm.s32 $execute0_lowered;
	[smem:$0x3FD2] =	sst s25  }
0xab: {  	s9 =	sshll.u32 s26, $0x1;
	_ =	strace $0x80000046;
	[dreg:$0x1] =	wrdreg $0xFFFFFFFF  }
0xac: {  	s28 =	simm.s32 $_size_execute0_lowered;
	s8 =	sadd.s32 s8, s9;
	[dreg:$0x0] =	wrdreg $0x0  }
0xad: {  	s9 =	sshll.u32 s28, $0x1;
	[dreg:$0x2] =	wrdreg s8  }
0xae: {  	[dreg:$0x3] =	wrdreg s9  }
0xaf: {  	[dreg:$0x4] =	wrdreg $0xC0  }
0xb0: {  	_ =	task [dreg:s12], $0x5FFFF  }
0xb1: {  	[dreg:$0x1] =	wrdreg $0xFFFFFFFF  }
0xb2: {  	[dreg:$0x0] =	wrdreg $0x60  }
0xb3: {  	[dreg:$0x2] =	wrdreg s2  }
0xb4: {  	[dreg:$0x3] =	wrdreg s19  }
0xb5: {  	[dreg:$0x4] =	wrdreg s4  }
0xb6: {  	[dreg:$0x5] =	wrdreg s5  }
0xb7: {  	[dreg:$0x6] =	wrdreg s6  }
0xb8: {  	[dreg:$0x7] =	wrdreg s7  }
0xb9: {  	[dreg:$0x8] =	wrdreg $0x9  }
0xba: {  	_ =	task.clear_ibuf [dreg:s12], $0x9FFFF;
	_ =	strace $0x90000046  }
0xbb: {  	s29 =	simm.s32 $0x9;
	_ =	strace $0x80000048  }
0xbc: {  	_ =	swait.ge [sflag:s29], $0x1  }
0xbd: {  	[sflag:s29] =	ssyncadd.s32 $0xFFFFFFFF  }
0xbe: {  	_ =	strace $0x90000048  }
0xbf: {  	_ =	sfence  }
0xc0: {  	s30 =	sld [smem:$0x0];
	_ =	sdelay $0x2  }
0xc1: {  	s31 =	sshll.u32 s1, $0xD;
	s1 =	sshrl.u32 s1, $0x2  }
0xc2: {  	s3 =	sand.u32 $0x4000, s31;
	s1 =	sadd.s32 s1, s30  }
0xc3: {  	s0 =	sor.u32 s3, s0;
	s1 =	sshll.u32 s1, $0x11  }
0xc4: {  	s0 =	sor.u32 s1, s0  }
0xc5: {  	s0 =	sadd.s32 $0x8F2B, s0  }
0xc6: {  	[sflag:s0] =	ssyncadd.remote.s32 $0x1  }
0xc7: {  	_ =	sfence.sel $0xFFFF  }
0xc8: {  	[dreg:$0x0] =	wrdreg $0xFFFFFFFF;
	(pc) =	sbr.abs _section_cstart, $3  }
0xc9: {  	[dreg:$0x1] =	wrdreg $0xFFFFFFFF  }
0xca: {  	_ =	task.clear_ibuf [dreg:s12], $0x2FFFF;
	_ =	strace $0x9FFFFFFF  }
0xcb: {  	(tm) =	ssettm $0x7FFFFFFF  }
tec
execute0_lowered:
.L_overlay_start_1:
0x0: {  	(tag) =	ssettag $0x1  }
0x1: {  	s0 =	rddreg [dreg:$0x0]  }
0x2: {  	s2 =	rddreg [dreg:$0x1]  }
0x3: {  	s1 =	rddreg [dreg:$0x2]  }
0x4: {  	s3 =	rddreg [dreg:$0x3];
	s4 =	srdreg.scid  }
0x5: {  	s13 =	rddreg [dreg:$0x5];
	s5 =	sand.u32 $0x1, s4;
	s4 =	simm.s32 $0x0  }
0x6: {  	s18 =	simm.s32 $0x6C80;
	[smem:$0x7FF] =	sst s4  }
0x7: {  	s19 =	simm.s32 $0x7480;
	_ =	strace $0x80000047;
	[dreg:$0xa] =	wrdreg s18  }
0x8: {  	s20 =	simm.s32 $0x7C80;
	[dreg:$0xb] =	wrdreg s19  }
0x9: {  	s6 =	stileid.u32;
	s21 =	simm.s32 $0x8480;
	[dreg:$0xc] =	wrdreg s20  }
0xa: {  	s22 =	simm.s32 $0x8C80;
	s23 =	simm.s32 $0x12480;
	[dreg:$0xd] =	wrdreg s21  }
0xb: {  	s24 =	simm.s32 $0x9C80;
	s25 =	simm.s32 $0xA480;
	[dreg:$0xe] =	wrdreg s22  }
0xc: {  	s26 =	simm.s32 $0xAC80;
	s28 =	simm.s32 $0xB480;
	[dreg:$0xf] =	wrdreg s23  }
0xd: {  	s29 =	simm.s32 $0xBC80;
	s31 =	simm.s32 $0x6480;
	[dreg:$0x10] =	wrdreg s24  }
0xe: {  	s6 =	sshll.u32 s6, $0xA;
	s7 =	sshll.u32 s5, $0x9;
	[dreg:$0x11] =	wrdreg s25  }
0xf: {  	s5 =	ssub.s32 $0x2, s5;
	s9 =	sor.u32 s7, s6;
	[dreg:$0x12] =	wrdreg s26  }
0x10: {  	s30 =	sshrl.u32 s5, $0x1;
	s7 =	sadd.s32 $0x100, s1;
	[dreg:$0x13] =	wrdreg s28  }
0x11: {  	s23 =	simm.s32 $0x3480;
	[dreg:$0x14] =	wrdreg s29;
	s18 =	simm.s32 $0x3  }
0x12: {  	s19 =	simm.s32 $0x7;
	s20 =	simm.s32 $0xA;
	s21 =	simm.s32 $0x4  }
0x13: {  	s22 =	simm.s32 $0x8;
	s24 =	simm.s32 $0xB;
	s25 =	simm.s32 $0xC  }
0x14: {  	s26 =	simm.s32 $0x0;
	s10 =	sshrl.u32 s9, $0x3;
	s11 =	ssub.s32 s5, s30  }
0x15: {  	s8 =	sand.u32 $0xE00, s9;
	s6 =	sshrl.u32 s9, $0x9;
	s14 =	sor.u32 $0x30, s9  }
0x16: {  	s30 =	simm.s32 $0x15480;
	s0 =	sadd.s32 s0, s10;
	s2 =	sadd.s32 s2, s10  }
0x17: {  	s5 =	sshrl.u32 s8, $0x3;
	s8 =	sadd.s32 $0x200, s1;
	s12 =	smul.u32 $0x300, s10  }
0x18: {  	s10 =	sshrl.u32 s14, $0x3;
	s14 =	sor.u32 $0x20, s9;
	[dreg:$0x15] =	wrdreg s30  }
0x19: {  	s11 =	smax.u32 s11, $0x1;
	[dreg:$0x16] =	wrdreg s0;
	s0 =	smul.u32 $0x300, s5  }
0x1a: {  	[dreg:$0x17] =	wrdreg s2;
	s2 =	sand.u32 $0x7, s6;
	s15 =	smul.u32 $0x300, s10  }
0x1b: {  	s14 =	sshrl.u32 s14, $0x3;
	s2 =	smul.u32 $0xC000, s2;
	s12 =	sadd.s32 s12, s13  }
0x1c: {  	s14 =	smul.u32 $0x300, s14;
	s9 =	sadd.s32 s3, s0;
	[dreg:$0x7] =	wrdreg s12  }
0x1d: {  	s0 =	sadd.s32 s15, s13;
	s15 =	simm.s32 $0x6;
	s16 =	sadd.s32 $0x600, s9  }
0x1e: {  	s12 =	sadd.s32 s2, s3;
	[dreg:$0x8] =	wrdreg s0;
	s17 =	sadd.s32 s14, s13  }
0x1f: {  	v2 =	vlaneseq.u32;
	s13 =	simm.s32 $0xD;
	s0 =	simm.s32 $0x1;
	s2 =	simm.s32 $0x5  }
0x20: {  	vm0 =	vmmov $0xffff;
	v1 =	vshrl.u32 v2, $0x3;
	s3 =	simm.s32 $0x9480;
	s14 =	simm.s32 $0x2;
	[dreg:$0x18] =	wrdreg s16  }
0x21: {  	v0 =	vand.u32 $0x7, v2;
	v2 =	vor.u32 $0x8, v2;
	v1 =	vmul.u32 $0x8, v1;
	[dreg:$0x9] =	wrdreg s17;
	s16 =	simm.s32 $0x480;
	s17 =	simm.s32 $0x9  }
.LBB2_1:
0x22: {  	s5 =	rddreg [dreg:$0x16]  }
0x23: {  	[tilespmem:s4], [sflag:$0xD] =	stream.linear.gather [hbm4b:s5+s4], $0x200, $0x38;
	[tilespmem:$0x18A80] =	vst v63  }
0x24: {  	_ =	swait.ge [sflag:s13], $0x200  }
0x25: {  	[sflag:s13] =	ssyncset.done $0x0  }
0x26: {  	s6 =	simm.s32 $0x200;
	s30 =	rddreg [dreg:$0x17];
	[sflag:s13] =	ssyncadd.s32 $0xFFFFFE00  }
0x27: {  	[tilespmem:s6], [sflag:$0xD] =	stream.linear.gather [hbm4b:s30+s4], $0x200, $0x38;
	[tilespmem:$0x18A80] =	vst v63  }
0x28: {  	_ =	swait.ge [sflag:s13], $0x200  }
0x29: {  	[sflag:s13] =	ssyncset.done $0x0  }
0x2a: {  	[sflag:s13] =	ssyncadd.s32 $0xFFFFFE00  }
0x2b: {  	s10 =	simm.s32 $0x18480;
	s6 =	rddreg [dreg:$0x4]  }
0x2c: {  	[tilespmem:s10], [sflag:$0xD] =	stream.linear.gather [hbm4b:s6+s4], $0x600, $0x38;
	[tilespmem:$0x18A80] =	vst v63  }
0x2d: {  	_ =	swait.ge [sflag:s13], $0x600  }
0x2e: {  	[sflag:s13] =	ssyncset.done $0x0  }
0x2f: {  	[sflag:s13] =	ssyncadd.s32 $0xFFFFFA00  }
0x30: {  	v3 =	vld [tilespmem:$0x0];
	_ =	sdelay $0x4  }
0x31: {  	v4 =	vshrl.u32 v3, $0x3  }
0x32: {  	v4 =	vmul.u32 $0x30, v4  }
0x33: {  	v3 =	vand.u32 $0x7, v3  }
0x34: {  	v3 =	vor.u32 v3, v4  }
0x35: {  	v4 =	vperm.xlane v3, v0;
	_ =	sdelay $0x1  }
0x36: {  	v4 =	vadd.s32 v1, v4;
	_ =	sdelay $0x3  }
0x37: {  	v3 =	vperm.xlane v3, v2  }
0x38: {  	[tilespmem:s16], [sflag:$0x1] =	stream.indirect_vreg.gather [hbm4b:s1+s4], $0x80, v4, vm0, $0xb8;
	[tilespmem:$0x18A80] =	vst v63  }
0x39: {  	s30 =	simm.s32 $0xC80;
	v3 =	vadd.s32 v1, v3  }
0x3a: {  	[tilespmem:s30], [sflag:$0x1] =	stream.indirect_vreg.gather [hbm4b:s7+s4], $0x80, v4, vm0, $0xb8;
	[tilespmem:$0x18A80] =	vst v63  }
0x3b: {  	s6 =	simm.s32 $0x1480  }
0x3c: {  	[tilespmem:s6], [sflag:$0x1] =	stream.indirect_vreg.gather [hbm4b:s8+s4], $0x80, v4, vm0, $0xb8;
	[tilespmem:$0x18A80] =	vst v63  }
0x3d: {  	s10 =	simm.s32 $0x1C80  }
0x3e: {  	[tilespmem:s10], [sflag:$0x1] =	stream.indirect_vreg.gather [hbm4b:s1+s4], $0x80, v3, vm0, $0xb8;
	[tilespmem:$0x18A80] =	vst v63  }
0x3f: {  	s30 =	simm.s32 $0x2480  }
0x40: {  	[tilespmem:s30], [sflag:$0x1] =	stream.indirect_vreg.gather [hbm4b:s7+s4], $0x80, v3, vm0, $0xb8;
	[tilespmem:$0x18A80] =	vst v63  }
0x41: {  	s6 =	simm.s32 $0x2C80  }
0x42: {  	[tilespmem:s6], [sflag:$0x1] =	stream.indirect_vreg.gather [hbm4b:s8+s4], $0x80, v3, vm0, $0xb8;
	[tilespmem:$0x18A80] =	vst v63  }
0x43: {  	s10 =	simm.s32 $0xC480  }
0x44: {  	[tilespmem:s10], [sflag:$0x5] =	stream.linear.gather [hbm4b:s9+s4], $0x3000, $0x38;
	[tilespmem:$0x18A80] =	vst v63  }
0x45: {  	v3 =	vld [tilespmem:$0x10];
	_ =	sdelay $0x4  }
0x46: {  	v63 =	vshrl.u32 v3, $0x3  }
0x47: {  	v4 =	vmul.u32 $0x30, v63  }
0x48: {  	v3 =	vand.u32 $0x7, v3  }
0x49: {  	v3 =	vor.u32 v3, v4  }
0x4a: {  	v4 =	vperm.xlane v3, v0;
	_ =	sdelay $0x1  }
0x4b: {  	v4 =	vadd.s32 v1, v4;
	_ =	sdelay $0x3  }
0x4c: {  	v3 =	vperm.xlane v3, v2  }
0x4d: {  	[tilespmem:s23], [sflag:$0x2] =	stream.indirect_vreg.gather [hbm4b:s1+s4], $0x80, v4, vm0, $0xb8;
	[tilespmem:$0x18A80] =	vst v63  }
0x4e: {  	s30 =	simm.s32 $0x3C80;
	v3 =	vadd.s32 v1, v3  }
0x4f: {  	[tilespmem:s30], [sflag:$0x2] =	stream.indirect_vreg.gather [hbm4b:s7+s4], $0x80, v4, vm0, $0xb8;
	[tilespmem:$0x18A80] =	vst v63  }
0x50: {  	s6 =	simm.s32 $0x4480  }
0x51: {  	[tilespmem:s6], [sflag:$0x2] =	stream.indirect_vreg.gather [hbm4b:s8+s4], $0x80, v4, vm0, $0xb8;
	[tilespmem:$0x18A80] =	vst v63  }
0x52: {  	s10 =	simm.s32 $0x4C80  }
0x53: {  	[tilespmem:s10], [sflag:$0x2] =	stream.indirect_vreg.gather [hbm4b:s1+s4], $0x80, v3, vm0, $0xb8;
	[tilespmem:$0x18A80] =	vst v63  }
0x54: {  	s30 =	simm.s32 $0x5480  }
0x55: {  	[tilespmem:s30], [sflag:$0x2] =	stream.indirect_vreg.gather [hbm4b:s7+s4], $0x80, v3, vm0, $0xb8;
	[tilespmem:$0x18A80] =	vst v63  }
0x56: {  	s28 =	simm.s32 $0x30;
	s6 =	simm.s32 $0x5C80  }
0x57: {  	[tilespmem:s6], [sflag:$0x2] =	stream.indirect_vreg.gather [hbm4b:s8+s4], $0x80, v3, vm0, $0xb8;
	[tilespmem:$0x18A80] =	vst v63  }
0x58: {  	s29 =	simm.s32 $0x0;
	s10 =	rddreg [dreg:$0x18];
	s30 =	simm.s32 $0xF480  }
0x59: {  	[tilespmem:s30], [sflag:$0x6] =	stream.linear.gather [hbm4b:s10+s4], $0x3000, $0x38;
	[tilespmem:$0x18A80] =	vst v63  }
.LBB2_2:
0x5a: {  	p0 =	seq.s32 s29, $0x0  }
0x5b: {  	s30 =	simm.s32 @!p0 $0xB  }
0x5c: {  	_ =	swait.ge @!p0 [sflag:s30], $0x3000  }
0x5d: {  	[sflag:s30] =	ssyncset.done @!p0 $0x0  }
0x5e: {  	[sflag:s30] =	ssyncadd.s32 @!p0 $0xFFFFD000  }
0x5f: {  	v3 =	vld [tilespmem:s28+$0xFFFFFFF0];
	_ =	sdelay $0x4  }
0x60: {  	v4 =	vshrl.u32 v3, $0x3  }
0x61: {  	v4 =	vmul.u32 $0x30, v4  }
0x62: {  	v3 =	vand.u32 $0x7, v3  }
0x63: {  	v3 =	vor.u32 v3, v4  }
0x64: {  	v4 =	vperm.xlane v3, v0;
	_ =	sdelay $0x1  }
0x65: {  	v4 =	vadd.s32 v1, v4;
	_ =	sdelay $0x3  }
0x66: {  	v3 =	vperm.xlane v3, v2  }
0x67: {  	[tilespmem:s31], [sflag:$0x3] =	stream.indirect_vreg.gather [hbm4b:s1+s4], $0x80, v4, vm0, $0xb8;
	[tilespmem:$0x18A80] =	vst v63  }
0x68: {  	s10 =	rddreg [dreg:$0xa];
	v3 =	vadd.s32 v1, v3  }
0x69: {  	[tilespmem:s10], [sflag:$0x3] =	stream.indirect_vreg.gather [hbm4b:s7+s4], $0x80, v4, vm0, $0xb8;
	[tilespmem:$0x18A80] =	vst v63  }
0x6a: {  	s5 =	rddreg [dreg:$0xb]  }
0x6b: {  	[tilespmem:s5], [sflag:$0x3] =	stream.indirect_vreg.gather [hbm4b:s8+s4], $0x80, v4, vm0, $0xb8;
	[tilespmem:$0x18A80] =	vst v63  }
0x6c: {  	s6 =	rddreg [dreg:$0xc]  }
0x6d: {  	[tilespmem:s6], [sflag:$0x3] =	stream.indirect_vreg.gather [hbm4b:s1+s4], $0x80, v3, vm0, $0xb8;
	[tilespmem:$0x18A80] =	vst v63  }
0x6e: {  	s10 =	rddreg [dreg:$0xd]  }
0x6f: {  	[tilespmem:s10], [sflag:$0x3] =	stream.indirect_vreg.gather [hbm4b:s7+s4], $0x80, v3, vm0, $0xb8;
	[tilespmem:$0x18A80] =	vst v63  }
0x70: {  	s30 =	sadd.s32 s29, s12;
	s6 =	rddreg [dreg:$0xe]  }
0x71: {  	[tilespmem:s6], [sflag:$0x3] =	stream.indirect_vreg.gather [hbm4b:s8+s4], $0x80, v3, vm0, $0xb8;
	[tilespmem:$0x18A80] =	vst v63  }
0x72: {  	s10 =	rddreg [dreg:$0xf];
	s6 =	sadd.s32 $0xC00, s30  }
0x73: {  	[tilespmem:s10], [sflag:$0x7] =	stream.linear.gather [hbm4b:s6+s4], $0x3000, $0x38;
	[tilespmem:$0x18A80] =	vst v63  }
0x74: {  	_ =	swait.ge [sflag:s0], $0x3000  }
0x75: {  	[sflag:s0] =	ssyncset.done $0x0  }
0x76: {  	[sflag:s0] =	ssyncadd.s32 $0xFFFFD000  }
0x77: {  	_ =	swait.ge [sflag:s2], $0x3000  }
0x78: {  	s10 =	rddreg [dreg:$0x7];
	[sflag:s2] =	ssyncset.done $0x0  }
0x79: {  	s6 =	simm.s32 @!p0 $0xC;
	[sflag:s2] =	ssyncadd.s32 $0xFFFFD000;
	s5 =	sadd.s32 s29, s10  }
0x7a: {  	[hbm4b:s5+s4] =	stream.linear.scatter [tilespmem:s16], [sflag:$0x9], $0x3000, $0x38;
	[tilespmem:$0x18A80] =	vst v63  }
0x7b: {  	_ =	swait.ge @!p0 [sflag:s6], $0x3000  }
0x7c: {  	[sflag:s6] =	ssyncset.done @!p0 $0x0  }
0x7d: {  	[sflag:s6] =	ssyncadd.s32 @!p0 $0xFFFFD000  }
0x7e: {  	v3 =	vld [tilespmem:s28+$0x0];
	_ =	sdelay $0x4  }
0x7f: {  	v63 =	vshrl.u32 v3, $0x3  }
0x80: {  	v4 =	vmul.u32 $0x30, v63  }
0x81: {  	v3 =	vand.u32 $0x7, v3  }
0x82: {  	v3 =	vor.u32 v3, v4  }
0x83: {  	v4 =	vperm.xlane v3, v0;
	_ =	sdelay $0x1  }
0x84: {  	v4 =	vadd.s32 v1, v4;
	_ =	sdelay $0x3  }
0x85: {  	v3 =	vperm.xlane v3, v2  }
0x86: {  	[tilespmem:s3], [sflag:$0x4] =	stream.indirect_vreg.gather [hbm4b:s1+s4], $0x80, v4, vm0, $0xb8;
	[tilespmem:$0x18A80] =	vst v63  }
0x87: {  	s6 =	rddreg [dreg:$0x10];
	v3 =	vadd.s32 v1, v3  }
0x88: {  	[tilespmem:s6], [sflag:$0x4] =	stream.indirect_vreg.gather [hbm4b:s7+s4], $0x80, v4, vm0, $0xb8;
	[tilespmem:$0x18A80] =	vst v63  }
0x89: {  	s10 =	rddreg [dreg:$0x11]  }
0x8a: {  	[tilespmem:s10], [sflag:$0x4] =	stream.indirect_vreg.gather [hbm4b:s8+s4], $0x80, v4, vm0, $0xb8;
	[tilespmem:$0x18A80] =	vst v63  }
0x8b: {  	s6 =	rddreg [dreg:$0x12]  }
0x8c: {  	[tilespmem:s6], [sflag:$0x4] =	stream.indirect_vreg.gather [hbm4b:s1+s4], $0x80, v3, vm0, $0xb8;
	[tilespmem:$0x18A80] =	vst v63  }
0x8d: {  	s10 =	rddreg [dreg:$0x13]  }
0x8e: {  	[tilespmem:s10], [sflag:$0x4] =	stream.indirect_vreg.gather [hbm4b:s7+s4], $0x80, v3, vm0, $0xb8;
	[tilespmem:$0x18A80] =	vst v63  }
0x8f: {  	s6 =	rddreg [dreg:$0x14]  }
0x90: {  	[tilespmem:s6], [sflag:$0x4] =	stream.indirect_vreg.gather [hbm4b:s8+s4], $0x80, v3, vm0, $0xb8;
	[tilespmem:$0x18A80] =	vst v63  }
0x91: {  	s30 =	sadd.s32 $0x1200, s30;
	s10 =	rddreg [dreg:$0x15]  }
0x92: {  	[tilespmem:s10], [sflag:$0x8] =	stream.linear.gather [hbm4b:s30+s4], $0x3000, $0x38;
	[tilespmem:$0x18A80] =	vst v63  }
0x93: {  	_ =	swait.ge [sflag:s14], $0x3000  }
0x94: {  	[sflag:s14] =	ssyncset.done $0x0  }
0x95: {  	[sflag:s14] =	ssyncadd.s32 $0xFFFFD000  }
0x96: {  	_ =	swait.ge [sflag:s15], $0x3000  }
0x97: {  	[sflag:s15] =	ssyncset.done $0x0  }
0x98: {  	s5 =	sadd.s32 $0x600, s5;
	[sflag:s15] =	ssyncadd.s32 $0xFFFFD000  }
0x99: {  	[hbm4b:s5+s4] =	stream.linear.scatter [tilespmem:s23], [sflag:$0xA], $0x3000, $0x38;
	[tilespmem:$0x18A80] =	vst v63  }
0x9a: {  	_ =	swait.ge [sflag:s17], $0x3000  }
0x9b: {  	[sflag:s17] =	ssyncset.done $0x0  }
0x9c: {  	p0 =	seq.s32 s29, $0xA800;
	[sflag:s17] =	ssyncadd.s32 $0xFFFFD000  }
0x9d: {  	v3 =	vld @!p0 [tilespmem:s28+$0x10];
	_ =	sdelay $0x4  }
0x9e: {  	v4 =	vshrl.u32 @!p0 v3, $0x3  }
0x9f: {  	v4 =	vmul.u32 @!p0 $0x30, v4  }
0xa0: {  	v5 =	vlaneseq.u32 @!p0;
	v3 =	vand.u32 @!p0 $0x7, v3  }
0xa1: {  	v6 =	vshrl.u32 @!p0 v5, $0x3;
	v3 =	vor.u32 @!p0 v3, v4;
	v4 =	vand.u32 @!p0 $0x7, v5  }
0xa2: {  	v6 =	vmul.u32 @!p0 $0x8, v6;
	v7 =	vperm.xlane @!p0 v3, v4;
	_ =	sdelay $0x1  }
0xa3: {  	v7 =	vadd.s32 @!p0 v6, v7;
	_ =	sdelay $0x2  }
0xa4: {  	v5 =	vor.u32 @!p0 $0x8, v5  }
0xa5: {  	vm1 =	vmmov @!p0 $0xffff;
	s6 =	simm.s32 @!p0 $0x480;
	s5 =	simm.s32 @!p0 $0x0;
	v3 =	vperm.xlane @!p0 v3, v5  }
0xa6: {  	[tilespmem:s6], [sflag:$0x1] =	stream.indirect_vreg.gather @!p0 [hbm4b:s1+s5], $0x80, v7, vm1, $0xb8;
	[tilespmem:$0x18A80] =	vst v63  }
0xa7: {  	v3 =	vadd.s32 @!p0 v6, v3;
	s6 =	simm.s32 @!p0 $0xC80  }
0xa8: {  	[tilespmem:s6], [sflag:$0x1] =	stream.indirect_vreg.gather @!p0 [hbm4b:s7+s5], $0x80, v7, vm1, $0xb8;
	[tilespmem:$0x18A80] =	vst v63  }
0xa9: {  	s6 =	simm.s32 @!p0 $0x1480  }
0xaa: {  	[tilespmem:s6], [sflag:$0x1] =	stream.indirect_vreg.gather @!p0 [hbm4b:s8+s5], $0x80, v7, vm1, $0xb8;
	[tilespmem:$0x18A80] =	vst v63  }
0xab: {  	s6 =	simm.s32 @!p0 $0x1C80  }
0xac: {  	[tilespmem:s6], [sflag:$0x1] =	stream.indirect_vreg.gather @!p0 [hbm4b:s1+s5], $0x80, v3, vm1, $0xb8;
	[tilespmem:$0x18A80] =	vst v63  }
0xad: {  	s6 =	simm.s32 @!p0 $0x2480  }
0xae: {  	[tilespmem:s6], [sflag:$0x1] =	stream.indirect_vreg.gather @!p0 [hbm4b:s7+s5], $0x80, v3, vm1, $0xb8;
	[tilespmem:$0x18A80] =	vst v63  }
0xaf: {  	s6 =	simm.s32 @!p0 $0x2C80  }
0xb0: {  	[tilespmem:s6], [sflag:$0x1] =	stream.indirect_vreg.gather @!p0 [hbm4b:s8+s5], $0x80, v3, vm1, $0xb8;
	[tilespmem:$0x18A80] =	vst v63  }
0xb1: {  	s6 =	sadd.s32 @!p0 s29, s12  }
0xb2: {  	s30 =	simm.s32 @!p0 $0xC480;
	s10 =	sadd.s32 @!p0 $0x1800, s6  }
0xb3: {  	[tilespmem:s30], [sflag:$0x5] =	stream.linear.gather @!p0 [hbm4b:s10+s5], $0x3000, $0x38;
	[tilespmem:$0x18A80] =	vst v63  }
0xb4: {  	_ =	swait.ge [sflag:s18], $0x3000  }
0xb5: {  	[sflag:s18] =	ssyncset.done $0x0  }
0xb6: {  	[sflag:s18] =	ssyncadd.s32 $0xFFFFD000  }
0xb7: {  	_ =	swait.ge [sflag:s19], $0x3000  }
0xb8: {  	s30 =	rddreg [dreg:$0x9];
	[sflag:s19] =	ssyncset.done $0x0  }
0xb9: {  	[sflag:s19] =	ssyncadd.s32 $0xFFFFD000;
	s10 =	sadd.s32 s29, s30  }
0xba: {  	[hbm4b:s10+s4] =	stream.linear.scatter [tilespmem:s31], [sflag:$0xB], $0x3000, $0x38;
	[tilespmem:$0x18A80] =	vst v63  }
0xbb: {  	_ =	swait.ge [sflag:s20], $0x3000  }
0xbc: {  	[sflag:s20] =	ssyncset.done $0x0  }
0xbd: {  	[sflag:s20] =	ssyncadd.s32 $0xFFFFD000  }
0xbe: {  	v3 =	vld @!p0 [tilespmem:s28+$0x20];
	_ =	sdelay $0x4  }
0xbf: {  	v7 =	vshrl.u32 @!p0 v3, $0x3  }
0xc0: {  	v7 =	vmul.u32 @!p0 $0x30, v7  }
0xc1: {  	v3 =	vand.u32 @!p0 $0x7, v3  }
0xc2: {  	v3 =	vor.u32 @!p0 v3, v7  }
0xc3: {  	v4 =	vperm.xlane @!p0 v3, v4;
	_ =	sdelay $0x1  }
0xc4: {  	v4 =	vadd.s32 @!p0 v6, v4;
	_ =	sdelay $0x3  }
0xc5: {  	s10 =	simm.s32 @!p0 $0x3480;
	v3 =	vperm.xlane @!p0 v3, v5  }
0xc6: {  	[tilespmem:s10], [sflag:$0x2] =	stream.indirect_vreg.gather @!p0 [hbm4b:s1+s5], $0x80, v4, vm1, $0xb8;
	[tilespmem:$0x18A80] =	vst v63  }
0xc7: {  	v3 =	vadd.s32 @!p0 v6, v3;
	s10 =	simm.s32 @!p0 $0x3C80  }
0xc8: {  	[tilespmem:s10], [sflag:$0x2] =	stream.indirect_vreg.gather @!p0 [hbm4b:s7+s5], $0x80, v4, vm1, $0xb8;
	[tilespmem:$0x18A80] =	vst v63  }
0xc9: {  	s10 =	simm.s32 @!p0 $0x4480  }
0xca: {  	[tilespmem:s10], [sflag:$0x2] =	stream.indirect_vreg.gather @!p0 [hbm4b:s8+s5], $0x80, v4, vm1, $0xb8;
	[tilespmem:$0x18A80] =	vst v63  }
0xcb: {  	s10 =	simm.s32 @!p0 $0x4C80  }
0xcc: {  	[tilespmem:s10], [sflag:$0x2] =	stream.indirect_vreg.gather @!p0 [hbm4b:s1+s5], $0x80, v3, vm1, $0xb8;
	[tilespmem:$0x18A80] =	vst v63  }
0xcd: {  	s10 =	simm.s32 @!p0 $0x5480  }
0xce: {  	[tilespmem:s10], [sflag:$0x2] =	stream.indirect_vreg.gather @!p0 [hbm4b:s7+s5], $0x80, v3, vm1, $0xb8;
	[tilespmem:$0x18A80] =	vst v63  }
0xcf: {  	s10 =	simm.s32 @!p0 $0x5C80  }
0xd0: {  	[tilespmem:s10], [sflag:$0x2] =	stream.indirect_vreg.gather @!p0 [hbm4b:s8+s5], $0x80, v3, vm1, $0xb8;
	[tilespmem:$0x18A80] =	vst v63  }
0xd1: {  	s6 =	sadd.s32 @!p0 $0x1E00, s6;
	s10 =	simm.s32 @!p0 $0xF480  }
0xd2: {  	[tilespmem:s10], [sflag:$0x6] =	stream.linear.gather @!p0 [hbm4b:s6+s5], $0x3000, $0x38;
	[tilespmem:$0x18A80] =	vst v63  }
0xd3: {  	_ =	swait.ge [sflag:s21], $0x3000  }
0xd4: {  	[sflag:s21] =	ssyncset.done $0x0  }
0xd5: {  	[sflag:s21] =	ssyncadd.s32 $0xFFFFD000  }
0xd6: {  	_ =	swait.ge [sflag:s22], $0x3000  }
0xd7: {  	s30 =	rddreg [dreg:$0x8]  }
0xd8: {  	s5 =	sadd.s32 s29, s30;
	s29 =	sadd.s32 $0x1800, s29  }
0xd9: {  	p0 =	sne.s32 s29, $0xC000  }
.Ltmp0:
0xda: {  	_ = 	snop;
	(pc) =	sbr.rel @p0 .LBB2_2-.Ltmp0, $4  }
0xdb: {  	_ = 	snop  }
0xdc: {  	[sflag:s22] =	ssyncset.done $0x0  }
0xdd: {  	s28 =	sadd.s32 $0x40, s28;
	[sflag:s22] =	ssyncadd.s32 $0xFFFFD000  }
0xde: {  	[hbm4b:s5+s4] =	stream.linear.scatter [tilespmem:s3], [sflag:$0xC], $0x3000, $0x38;
	[tilespmem:$0x18A80] =	vst v63  }
0xdf: {  	s26 =	sadd.s32 $0x1, s26  }
0xe0: {  	_ =	swait.ge [sflag:s24], $0x3000;
	p0 =	sne.s32 s26, s11  }
.Ltmp1:
0xe1: {  	[sflag:s24] =	ssyncset.done $0x0;
	(pc) =	sbr.rel @p0 .LBB2_1-.Ltmp1, $4  }
0xe2: {  	[sflag:s24] =	ssyncadd.s32 $0xFFFFD000  }
0xe3: {  	_ =	swait.ge [sflag:s25], $0x3000  }
0xe4: {  	[sflag:s25] =	ssyncset.done $0x0  }
0xe5: {  	[sflag:s25] =	ssyncadd.s32 $0xFFFFD000  }
0xe6: {  	_ =	sfence.sel $0x180000  }
0xe7: {  	[bflag:$0x0] =	sbarrier.arrive $0xFFFF  }
0xe8: {  	_ =	strace $0x90000047  }
0xe9: {  	s0 =	stileid.u32;
	[bflag:$0x2] =	sbarrier.arrive $0xFFFF  }
0xea: {  	p0 =	sne.s32 s0, $0x0;
	s0 =	rddreg [dreg:$0x6]  }
0xeb: {  	s0 =	sadd.s32 @!p0 $0x100000, s0  }
0xec: {  	[sflag:s0] =	ssyncadd.tile.s32 @!p0 $0x1;
	_ =	shalt  }
.Lfunc_end2:
_tile_overlayer_lowered:
.L_overlay_start_2:
0xed: {  	(tag) =	ssettag $0x2  }
0xee: {  	s0 =	rddreg [dreg:$0x0];
	s2 =	stileid.u32  }
0xef: {  	s1 =	rddreg [dreg:$0x1];
	p0 =	sne.s32 s2, $0x0  }
0xf0: {  	s3 =	rddreg [dreg:$0x2];
	[bflag:$0x3] =	sbarrier.arrive $0xFFFF;
	s2 =	simm.s32 @!p0 $0x1C0D  }
0xf1: {  	[timem:s3], [sflag:s2] =	dma.local @!p0 [hbm:s0], s1  }
0xf2: {  	s0 =	simm.s32 @!p0 $0xD  }
0xf3: {  	_ =	swait.ge @!p0 [sflag:s0], s1  }
0xf4: {  	s1 =	ssub.s32 @!p0 $0x0, s1;
	[sflag:s0] =	ssyncset.done @!p0 $0x0  }
0xf5: {  	[sflag:s0] =	ssyncadd.s32 @!p0 s1  }
0xf6: {  	[bflag:$0x3] =	sbarrier.arrive $0xFFFF  }
0xf7: {  	_ =	shalt  }

</sc_bundles>
